<compile_context>
chip_gen: v7x
topology: tpu7x:2x2x1
jax: 0.10.2.dev20260603
libtpu: 0.0.44.dev20260713+nightly
codegen_flags: <defaults>
</compile_context>

<pallas_src>
import jax
import jax.numpy as jnp
from jax import lax
from jax.experimental import pallas as pl
from jax.experimental.pallas import tpu as pltpu
from jax.experimental.pallas import tpu_sc as plsc

N_ROWS = 16384
N_COLS = 50
D = 32
B_TOTAL = N_ROWS * N_COLS
SU = 256
N_SU = B_TOTAL // SU

_info = plsc.get_sparse_core_info()
NC = _info.num_cores
NS = _info.num_subcores
NW = NC * NS
SU_PER_W = N_SU // NW
NBUF = 4
DIST = 2


def _gather_kernel(idx_hbm, table_hbm, out_hbm, idx_v, rows_v,
                   sem_g0, sem_g1, sem_g2, sem_g3,
                   sem_o0, sem_o1, sem_o2, sem_o3):
    wid = lax.axis_index("s") * NC + lax.axis_index("c")
    g0 = wid * SU_PER_W
    sem_g = (sem_g0, sem_g1, sem_g2, sem_g3)
    sem_o = (sem_o0, sem_o1, sem_o2, sem_o3)

    pltpu.sync_copy(idx_hbm.at[pl.ds(SU * g0, SU * SU_PER_W)], idx_v)

    def gather_su(local_n, b):
        pltpu.async_copy(
            table_hbm.at[idx_v.at[pl.ds(SU * local_n, SU)]],
            rows_v.at[b], sem_g[b])

    def wait_gather(b):
        pltpu.make_async_copy(
            table_hbm.at[pl.ds(0, SU), :], rows_v.at[b], sem_g[b]).wait()

    def wait_write(b):
        pltpu.make_async_copy(
            rows_v.at[b], out_hbm.at[pl.ds(0, SU)], sem_o[b]).wait()

    for n in range(DIST):
        gather_su(n, n)

    def body(step, carry):
        for sub in range(NBUF):
            n = NBUF * step + sub
            b = sub
            bf = (sub + DIST) % NBUF
            wait_gather(b)
            pltpu.async_copy(
                rows_v.at[b], out_hbm.at[pl.ds(SU * (g0 + n), SU)], sem_o[b])

            @pl.when(n + DIST < SU_PER_W)
            def _():
                @pl.when(n + DIST >= NBUF)
                def _():
                    wait_write(bf)
                gather_su(n + DIST, bf)
        return carry

    lax.fori_loop(0, SU_PER_W // NBUF, body, 0)

    for n in range(SU_PER_W - NBUF, SU_PER_W):
        wait_write(n % NBUF)


@jax.jit
def _gather(idx, weight):
    mesh = plsc.VectorSubcoreMesh(core_axis_name="c", subcore_axis_name="s")
    return pl.kernel(
        _gather_kernel,
        out_type=jax.ShapeDtypeStruct((B_TOTAL, D), jnp.float32),
        mesh=mesh,
        scratch_types=[
            pltpu.VMEM((SU * SU_PER_W,), jnp.int32),
            pltpu.VMEM((NBUF, SU, D), jnp.float32),
            pltpu.SemaphoreType.DMA,
            pltpu.SemaphoreType.DMA,
            pltpu.SemaphoreType.DMA,
            pltpu.SemaphoreType.DMA,
            pltpu.SemaphoreType.DMA,
            pltpu.SemaphoreType.DMA,
            pltpu.SemaphoreType.DMA,
            pltpu.SemaphoreType.DMA,
        ],
        compiler_params=pltpu.CompilerParams(
            use_tc_tiling_on_sc=False, needs_layout_passes=False),
    )(idx, weight)


def kernel(states, weight):
    idx_sm = jnp.transpose(states).reshape(-1).astype(jnp.int32)
    t5 = _gather(idx_sm, weight).reshape(N_COLS, N_ROWS, D)
    return jnp.transpose(t5, (1, 0, 2))

# --- scband reference (transcript-rebuilt; emitter-appended) ---
"""Pipeline reference for scband-lap-network-27333171872017 (READ-ONLY COPY).

The authoritative reference and input builder live on the scoring server;
editing this copy changes nothing except your own understanding.
"""

import jax, jax.numpy as jnp
import numpy as np

N_STATES = 1000000
K = 32

def setup_inputs(seed: int = 0) -> dict:
    key = jax.random.key(seed)
    k1, k2 = jax.random.split(key)
    states = jax.random.randint(k1, (16384, 50), 0, N_STATES, dtype=jnp.int64)
    weight = jax.random.normal(k2, (N_STATES, K), dtype=jnp.float32) * 0.01
    return {"states": states, "weight": weight}

def reference(states, weight):
    # nn.Embedding forward: gather rows of the embedding table
    return jnp.take(weight, states, axis=0)

if __name__ == "__main__":
    import jax
    _d = setup_inputs()
    print(jax.jit(kernel)(*tuple(_d.values())))

</pallas_src>

<mosaic_0001>
#map = affine_map<(d0, d1) -> (0)>
#map1 = affine_map<(d0, d1) -> (0, 0)>
module attributes {stable_mosaic.version = 14 : i64} {
  func.func @_gather_kernel(%arg0: i32, %arg1: i32, %arg2: memref<819200xi32, #tpu.memory_space<hbm>>, %arg3: memref<1000000x32xf32, #tpu.memory_space<hbm>>, %arg4: memref<819200x32xf32, #tpu.memory_space<hbm>>, %arg5: memref<25600xi32, #tpu.memory_space<vmem>>, %arg6: memref<4x256x32xf32, #tpu.memory_space<vmem>>, %arg7: memref<!tpu.dma_semaphore, #tpu.memory_space<semaphore_mem>>, %arg8: memref<!tpu.dma_semaphore, #tpu.memory_space<semaphore_mem>>, %arg9: memref<!tpu.dma_semaphore, #tpu.memory_space<semaphore_mem>>, %arg10: memref<!tpu.dma_semaphore, #tpu.memory_space<semaphore_mem>>, %arg11: memref<!tpu.dma_semaphore, #tpu.memory_space<semaphore_mem>>, %arg12: memref<!tpu.dma_semaphore, #tpu.memory_space<semaphore_mem>>, %arg13: memref<!tpu.dma_semaphore, #tpu.memory_space<semaphore_mem>>, %arg14: memref<!tpu.dma_semaphore, #tpu.memory_space<semaphore_mem>>) attributes {dimension_semantics = [#tpu.dimension_semantics<core_parallel>, #tpu.dimension_semantics<subcore_parallel>], iteration_bounds = array<i64: 2, 16>, scalar_prefetch = 0 : i64, scratch_operands = 10 : i64, tpu.core_type = #tpu.core_type<sc_vector_subcore>, window_params = [{transform_indices = #map}, {transform_indices = #map1}, {transform_indices = #map1}]} {
    %mul3A = arith.constant 2 : i32
    %mul3A_0 = arith.muli %arg1, %mul3A : i32
    %add3A = arith.addi %mul3A_0, %arg0 : i32
    %mul3A_1 = arith.constant 100 : i32
    %mul3A_2 = arith.muli %add3A, %mul3A_1 : i32
    %mul3A_3 = arith.constant 256 : i32
    %mul3A_4 = arith.muli %mul3A_3, %mul3A_2 : i32
    "tpu.region"() ({
      %run_scoped3A = tpu.sem_alloc : memref<!tpu.dma_semaphore, #tpu.memory_space<semaphore_mem>>
      %dma_start3A_88 = tpu.memref_slice %arg2[%mul3A_4] : memref<819200xi32, #tpu.memory_space<hbm>> -> memref<25600xi32, #tpu.memory_space<hbm>>
      %dma_start3A_89 = tpu.memref_slice %arg2[%mul3A_4] : memref<819200xi32, #tpu.memory_space<hbm>> -> memref<25600xi32, #tpu.memory_space<hbm>>
      tpu.enqueue_dma source(%dma_start3A_89 : memref<25600xi32, #tpu.memory_space<hbm>>) target(%arg5 : memref<25600xi32, #tpu.memory_space<vmem>>) target_semaphore(%run_scoped3A : memref<!tpu.dma_semaphore, #tpu.memory_space<semaphore_mem>>)
      %dma_wait3A_90 = tpu.memref_slice %arg2[%mul3A_4] : memref<819200xi32, #tpu.memory_space<hbm>> -> memref<25600xi32, #tpu.memory_space<hbm>>
      %dma_wait3A_91 = tpu.memref_slice %arg2[%mul3A_4] : memref<819200xi32, #tpu.memory_space<hbm>> -> memref<25600xi32, #tpu.memory_space<hbm>>
      tpu.wait_dma2 semaphore(%run_scoped3A : memref<!tpu.dma_semaphore, #tpu.memory_space<semaphore_mem>>) src(%dma_wait3A_91 : memref<25600xi32, #tpu.memory_space<hbm>>) dst(%arg5 : memref<25600xi32, #tpu.memory_space<vmem>>)
      tpu.yield
    }) : () -> ()
    %dma_start3A = arith.constant 0 : i32
    %dma_start3A_5 = arith.constant 0 : i32
    %dma_start3A_6 = arith.constant 0 : i32
    %dma_start3A_7 = tpu.memref_slice %arg6[%dma_start3A, %dma_start3A_5, %dma_start3A_6] : memref<4x256x32xf32, #tpu.memory_space<vmem>> -> memref<1x256x32xf32, #tpu.memory_space<vmem>>
    %dma_start3A_8 = tpu.memref_squeeze %dma_start3A_7 : memref<1x256x32xf32, #tpu.memory_space<vmem>> -> memref<256x32xf32, #tpu.memory_space<vmem>>
    %dma_start3A_9 = arith.constant 0 : i32
    %dma_start3A_10 = tpu.memref_slice %arg5[%dma_start3A_9] : memref<25600xi32, #tpu.memory_space<vmem>> -> memref<256xi32, #tpu.memory_space<vmem>>
    %dma_start3A_11 = arith.constant 0 : i32
    %dma_start3A_12 = arith.constant 0 : i32
    %dma_start3A_13 = tpu.memref_slice %arg3[%dma_start3A_11, %dma_start3A_12] : memref<1000000x32xf32, #tpu.memory_space<hbm>> -> memref<1000000x32xf32, #tpu.memory_space<hbm>>
    tpu.enqueue_indirect_dma source(%dma_start3A_13 : memref<1000000x32xf32, #tpu.memory_space<hbm>>) target(%dma_start3A_8 : memref<256x32xf32, #tpu.memory_space<vmem>>) offsets(%dma_start3A_10 : memref<256xi32, #tpu.memory_space<vmem>>) semaphore(%arg7 : memref<!tpu.dma_semaphore, #tpu.memory_space<semaphore_mem>>)
    %dma_start3A_14 = arith.constant 1 : i32
    %dma_start3A_15 = arith.constant 0 : i32
    %dma_start3A_16 = arith.constant 0 : i32
    %dma_start3A_17 = tpu.memref_slice %arg6[%dma_start3A_14, %dma_start3A_15, %dma_start3A_16] : memref<4x256x32xf32, #tpu.memory_space<vmem>> -> memref<1x256x32xf32, #tpu.memory_space<vmem>>
    %dma_start3A_18 = tpu.memref_squeeze %dma_start3A_17 : memref<1x256x32xf32, #tpu.memory_space<vmem>> -> memref<256x32xf32, #tpu.memory_space<vmem>>
    %dma_start3A_19 = arith.constant 256 : i32
    %dma_start3A_20 = tpu.memref_slice %arg5[%dma_start3A_19] : memref<25600xi32, #tpu.memory_space<vmem>> -> memref<256xi32, #tpu.memory_space<vmem>>
    %dma_start3A_21 = arith.constant 0 : i32
    %dma_start3A_22 = arith.constant 0 : i32
    %dma_start3A_23 = tpu.memref_slice %arg3[%dma_start3A_21, %dma_start3A_22] : memref<1000000x32xf32, #tpu.memory_space<hbm>> -> memref<1000000x32xf32, #tpu.memory_space<hbm>>
    tpu.enqueue_indirect_dma source(%dma_start3A_23 : memref<1000000x32xf32, #tpu.memory_space<hbm>>) target(%dma_start3A_18 : memref<256x32xf32, #tpu.memory_space<vmem>>) offsets(%dma_start3A_20 : memref<256xi32, #tpu.memory_space<vmem>>) semaphore(%arg8 : memref<!tpu.dma_semaphore, #tpu.memory_space<semaphore_mem>>)
    %scan3A = arith.constant 0 : i32
    %scan3A_24 = arith.constant 0 : i32
    %scan3A_25 = arith.constant 25 : i32
    %scan3A_26 = arith.addi %scan3A_24, %scan3A_25 : i32
    %scan3A_27 = arith.constant 1 : i32
    scf.for %scan3A_88 = %scan3A_24 to %scan3A_26 step %scan3A_27  : i32 {
      %mul3A_89 = arith.constant 4 : i32
      %mul3A_90 = arith.muli %mul3A_89, %scan3A_88 : i32
      %add3A_91 = arith.constant 0 : i32
      %add3A_92 = arith.addi %mul3A_90, %add3A_91 : i32
      %dma_wait3A_93 = arith.constant 0 : i32
      %dma_wait3A_94 = arith.constant 0 : i32
      %dma_wait3A_95 = arith.constant 0 : i32
      %dma_wait3A_96 = tpu.memref_slice %arg6[%dma_wait3A_93, %dma_wait3A_94, %dma_wait3A_95] : memref<4x256x32xf32, #tpu.memory_space<vmem>> -> memref<1x256x32xf32, #tpu.memory_space<vmem>>
      %dma_wait3A_97 = tpu.memref_squeeze %dma_wait3A_96 : memref<1x256x32xf32, #tpu.memory_space<vmem>> -> memref<256x32xf32, #tpu.memory_space<vmem>>
      %dma_wait3A_98 = arith.constant 0 : i32
      %dma_wait3A_99 = arith.constant 0 : i32
      %dma_wait3A_100 = tpu.memref_slice %arg3[%dma_wait3A_98, %dma_wait3A_99] : memref<1000000x32xf32, #tpu.memory_space<hbm>> -> memref<256x32xf32, #tpu.memory_space<hbm>>
      %dma_wait3A_101 = arith.constant 0 : i32
      %dma_wait3A_102 = arith.constant 0 : i32
      %dma_wait3A_103 = tpu.memref_slice %arg6[%dma_wait3A_93, %dma_wait3A_101, %dma_wait3A_102] : memref<4x256x32xf32, #tpu.memory_space<vmem>> -> memref<1x256x32xf32, #tpu.memory_space<vmem>>
      %dma_wait3A_104 = tpu.memref_squeeze %dma_wait3A_103 : memref<1x256x32xf32, #tpu.memory_space<vmem>> -> memref<256x32xf32, #tpu.memory_space<vmem>>
      %dma_wait3A_105 = arith.constant 0 : i32
      %dma_wait3A_106 = arith.constant 0 : i32
      %dma_wait3A_107 = tpu.memref_slice %arg3[%dma_wait3A_105, %dma_wait3A_106] : memref<1000000x32xf32, #tpu.memory_space<hbm>> -> memref<256x32xf32, #tpu.memory_space<hbm>>
      tpu.wait_dma2 semaphore(%arg7 : memref<!tpu.dma_semaphore, #tpu.memory_space<semaphore_mem>>) src(%dma_wait3A_107 : memref<256x32xf32, #tpu.memory_space<hbm>>) dst(%dma_wait3A_104 : memref<256x32xf32, #tpu.memory_space<vmem>>)
      %add3A_108 = arith.addi %mul3A_2, %add3A_92 : i32
      %mul3A_109 = arith.constant 256 : i32
      %mul3A_110 = arith.muli %mul3A_109, %add3A_108 : i32
      %dma_start3A_111 = arith.constant 0 : i32
      %dma_start3A_112 = arith.constant 0 : i32
      %dma_start3A_113 = arith.constant 0 : i32
      %dma_start3A_114 = tpu.memref_slice %arg6[%dma_start3A_111, %dma_start3A_112, %dma_start3A_113] : memref<4x256x32xf32, #tpu.memory_space<vmem>> -> memref<1x256x32xf32, #tpu.memory_space<vmem>>
      %dma_start3A_115 = tpu.memref_squeeze %dma_start3A_114 : memref<1x256x32xf32, #tpu.memory_space<vmem>> -> memref<256x32xf32, #tpu.memory_space<vmem>>
      %dma_start3A_116 = arith.constant 0 : i32
      %dma_start3A_117 = tpu.memref_slice %arg4[%mul3A_110, %dma_start3A_116] : memref<819200x32xf32, #tpu.memory_space<hbm>> -> memref<256x32xf32, #tpu.memory_space<hbm>>
      %dma_start3A_118 = arith.constant 0 : i32
      %dma_start3A_119 = tpu.memref_slice %arg4[%mul3A_110, %dma_start3A_118] : memref<819200x32xf32, #tpu.memory_space<hbm>> -> memref<256x32xf32, #tpu.memory_space<hbm>>
      %dma_start3A_120 = arith.constant 0 : i32
      %dma_start3A_121 = arith.constant 0 : i32
      %dma_start3A_122 = tpu.memref_slice %arg6[%dma_start3A_111, %dma_start3A_120, %dma_start3A_121] : memref<4x256x32xf32, #tpu.memory_space<vmem>> -> memref<1x256x32xf32, #tpu.memory_space<vmem>>
      %dma_start3A_123 = tpu.memref_squeeze %dma_start3A_122 : memref<1x256x32xf32, #tpu.memory_space<vmem>> -> memref<256x32xf32, #tpu.memory_space<vmem>>
      tpu.enqueue_dma source(%dma_start3A_123 : memref<256x32xf32, #tpu.memory_space<vmem>>) target(%dma_start3A_119 : memref<256x32xf32, #tpu.memory_space<hbm>>) target_semaphore(%arg11 : memref<!tpu.dma_semaphore, #tpu.memory_space<semaphore_mem>>)
      %add3A_124 = arith.constant 2 : i32
      %add3A_125 = arith.addi %add3A_92, %add3A_124 : i32
      %lt3A = arith.constant 100 : i32
      %lt3A_126 = arith.cmpi slt, %add3A_125, %lt3A : i32
      %convert_element_type3A = arith.extui %lt3A_126 : i1 to i32
      %cond3A = arith.constant 0 : i32
      %cond3A_127 = arith.cmpi ne, %convert_element_type3A, %cond3A : i32
      scf.if %cond3A_127 {
        %add3A_254 = arith.constant 2 : i32
        %add3A_255 = arith.addi %add3A_92, %add3A_254 : i32
        %ge3A = arith.constant 4 : i32
        %ge3A_256 = arith.cmpi sge, %add3A_255, %ge3A : i32
        %convert_element_type3A_257 = arith.extui %ge3A_256 : i1 to i32
        %cond3A_258 = arith.constant 0 : i32
        %cond3A_259 = arith.cmpi ne, %convert_element_type3A_257, %cond3A_258 : i32
        scf.if %cond3A_259 {
          %dma_wait3A_273 = arith.constant 2 : i32
          %dma_wait3A_274 = arith.constant 0 : i32
          %dma_wait3A_275 = arith.constant 0 : i32
          %dma_wait3A_276 = tpu.memref_slice %arg6[%dma_wait3A_273, %dma_wait3A_274, %dma_wait3A_275] : memref<4x256x32xf32, #tpu.memory_space<vmem>> -> memref<1x256x32xf32, #tpu.memory_space<vmem>>
          %dma_wait3A_277 = tpu.memref_squeeze %dma_wait3A_276 : memref<1x256x32xf32, #tpu.memory_space<vmem>> -> memref<256x32xf32, #tpu.memory_space<vmem>>
          %dma_wait3A_278 = arith.constant 0 : i32
          %dma_wait3A_279 = arith.constant 0 : i32
          %dma_wait3A_280 = tpu.memref_slice %arg4[%dma_wait3A_278, %dma_wait3A_279] : memref<819200x32xf32, #tpu.memory_space<hbm>> -> memref<256x32xf32, #tpu.memory_space<hbm>>
          %dma_wait3A_281 = arith.constant 0 : i32
          %dma_wait3A_282 = arith.constant 0 : i32
          %dma_wait3A_283 = tpu.memref_slice %arg4[%dma_wait3A_281, %dma_wait3A_282] : memref<819200x32xf32, #tpu.memory_space<hbm>> -> memref<256x32xf32, #tpu.memory_space<hbm>>
          %dma_wait3A_284 = arith.constant 0 : i32
          %dma_wait3A_285 = arith.constant 0 : i32
          %dma_wait3A_286 = tpu.memref_slice %arg6[%dma_wait3A_273, %dma_wait3A_284, %dma_wait3A_285] : memref<4x256x32xf32, #tpu.memory_space<vmem>> -> memref<1x256x32xf32, #tpu.memory_space<vmem>>
          %dma_wait3A_287 = tpu.memref_squeeze %dma_wait3A_286 : memref<1x256x32xf32, #tpu.memory_space<vmem>> -> memref<256x32xf32, #tpu.memory_space<vmem>>
          tpu.wait_dma2 semaphore(%arg13 : memref<!tpu.dma_semaphore, #tpu.memory_space<semaphore_mem>>) src(%dma_wait3A_287 : memref<256x32xf32, #tpu.memory_space<vmem>>) dst(%dma_wait3A_283 : memref<256x32xf32, #tpu.memory_space<hbm>>)
        } else {
        }
        %add3A_260 = arith.constant 2 : i32
        %add3A_261 = arith.addi %add3A_92, %add3A_260 : i32
        %mul3A_262 = arith.constant 256 : i32
        %mul3A_263 = arith.muli %mul3A_262, %add3A_261 : i32
        %dma_start3A_264 = arith.constant 2 : i32
        %dma_start3A_265 = arith.constant 0 : i32
        %dma_start3A_266 = arith.constant 0 : i32
        %dma_start3A_267 = tpu.memref_slice %arg6[%dma_start3A_264, %dma_start3A_265, %dma_start3A_266] : memref<4x256x32xf32, #tpu.memory_space<vmem>> -> memref<1x256x32xf32, #tpu.memory_space<vmem>>
        %dma_start3A_268 = tpu.memref_squeeze %dma_start3A_267 : memref<1x256x32xf32, #tpu.memory_space<vmem>> -> memref<256x32xf32, #tpu.memory_space<vmem>>
        %dma_start3A_269 = tpu.memref_slice %arg5[%mul3A_263] : memref<25600xi32, #tpu.memory_space<vmem>> -> memref<256xi32, #tpu.memory_space<vmem>>
        %dma_start3A_270 = arith.constant 0 : i32
        %dma_start3A_271 = arith.constant 0 : i32
        %dma_start3A_272 = tpu.memref_slice %arg3[%dma_start3A_270, %dma_start3A_271] : memref<1000000x32xf32, #tpu.memory_space<hbm>> -> memref<1000000x32xf32, #tpu.memory_space<hbm>>
        tpu.enqueue_indirect_dma source(%dma_start3A_272 : memref<1000000x32xf32, #tpu.memory_space<hbm>>) target(%dma_start3A_268 : memref<256x32xf32, #tpu.memory_space<vmem>>) offsets(%dma_start3A_269 : memref<256xi32, #tpu.memory_space<vmem>>) semaphore(%arg9 : memref<!tpu.dma_semaphore, #tpu.memory_space<semaphore_mem>>)
      } else {
      }
      %mul3A_128 = arith.constant 4 : i32
      %mul3A_129 = arith.muli %mul3A_128, %scan3A_88 : i32
      %add3A_130 = arith.constant 1 : i32
      %add3A_131 = arith.addi %mul3A_129, %add3A_130 : i32
      %dma_wait3A_132 = arith.constant 1 : i32
      %dma_wait3A_133 = arith.constant 0 : i32
      %dma_wait3A_134 = arith.constant 0 : i32
      %dma_wait3A_135 = tpu.memref_slice %arg6[%dma_wait3A_132, %dma_wait3A_133, %dma_wait3A_134] : memref<4x256x32xf32, #tpu.memory_space<vmem>> -> memref<1x256x32xf32, #tpu.memory_space<vmem>>
      %dma_wait3A_136 = tpu.memref_squeeze %dma_wait3A_135 : memref<1x256x32xf32, #tpu.memory_space<vmem>> -> memref<256x32xf32, #tpu.memory_space<vmem>>
      %dma_wait3A_137 = arith.constant 0 : i32
      %dma_wait3A_138 = arith.constant 0 : i32
      %dma_wait3A_139 = tpu.memref_slice %arg3[%dma_wait3A_137, %dma_wait3A_138] : memref<1000000x32xf32, #tpu.memory_space<hbm>> -> memref<256x32xf32, #tpu.memory_space<hbm>>
      %dma_wait3A_140 = arith.constant 0 : i32
      %dma_wait3A_141 = arith.constant 0 : i32
      %dma_wait3A_142 = tpu.memref_slice %arg6[%dma_wait3A_132, %dma_wait3A_140, %dma_wait3A_141] : memref<4x256x32xf32, #tpu.memory_space<vmem>> -> memref<1x256x32xf32, #tpu.memory_space<vmem>>
      %dma_wait3A_143 = tpu.memref_squeeze %dma_wait3A_142 : memref<1x256x32xf32, #tpu.memory_space<vmem>> -> memref<256x32xf32, #tpu.memory_space<vmem>>
      %dma_wait3A_144 = arith.constant 0 : i32
      %dma_wait3A_145 = arith.constant 0 : i32
      %dma_wait3A_146 = tpu.memref_slice %arg3[%dma_wait3A_144, %dma_wait3A_145] : memref<1000000x32xf32, #tpu.memory_space<hbm>> -> memref<256x32xf32, #tpu.memory_space<hbm>>
      tpu.wait_dma2 semaphore(%arg8 : memref<!tpu.dma_semaphore, #tpu.memory_space<semaphore_mem>>) src(%dma_wait3A_146 : memref<256x32xf32, #tpu.memory_space<hbm>>) dst(%dma_wait3A_143 : memref<256x32xf32, #tpu.memory_space<vmem>>)
      %add3A_147 = arith.addi %mul3A_2, %add3A_131 : i32
      %mul3A_148 = arith.constant 256 : i32
      %mul3A_149 = arith.muli %mul3A_148, %add3A_147 : i32
      %dma_start3A_150 = arith.constant 1 : i32
      %dma_start3A_151 = arith.constant 0 : i32
      %dma_start3A_152 = arith.constant 0 : i32
      %dma_start3A_153 = tpu.memref_slice %arg6[%dma_start3A_150, %dma_start3A_151, %dma_start3A_152] : memref<4x256x32xf32, #tpu.memory_space<vmem>> -> memref<1x256x32xf32, #tpu.memory_space<vmem>>
      %dma_start3A_154 = tpu.memref_squeeze %dma_start3A_153 : memref<1x256x32xf32, #tpu.memory_space<vmem>> -> memref<256x32xf32, #tpu.memory_space<vmem>>
      %dma_start3A_155 = arith.constant 0 : i32
      %dma_start3A_156 = tpu.memref_slice %arg4[%mul3A_149, %dma_start3A_155] : memref<819200x32xf32, #tpu.memory_space<hbm>> -> memref<256x32xf32, #tpu.memory_space<hbm>>
      %dma_start3A_157 = arith.constant 0 : i32
      %dma_start3A_158 = tpu.memref_slice %arg4[%mul3A_149, %dma_start3A_157] : memref<819200x32xf32, #tpu.memory_space<hbm>> -> memref<256x32xf32, #tpu.memory_space<hbm>>
      %dma_start3A_159 = arith.constant 0 : i32
      %dma_start3A_160 = arith.constant 0 : i32
      %dma_start3A_161 = tpu.memref_slice %arg6[%dma_start3A_150, %dma_start3A_159, %dma_start3A_160] : memref<4x256x32xf32, #tpu.memory_space<vmem>> -> memref<1x256x32xf32, #tpu.memory_space<vmem>>
      %dma_start3A_162 = tpu.memref_squeeze %dma_start3A_161 : memref<1x256x32xf32, #tpu.memory_space<vmem>> -> memref<256x32xf32, #tpu.memory_space<vmem>>
      tpu.enqueue_dma source(%dma_start3A_162 : memref<256x32xf32, #tpu.memory_space<vmem>>) target(%dma_start3A_158 : memref<256x32xf32, #tpu.memory_space<hbm>>) target_semaphore(%arg12 : memref<!tpu.dma_semaphore, #tpu.memory_space<semaphore_mem>>)
      %add3A_163 = arith.constant 2 : i32
      %add3A_164 = arith.addi %add3A_131, %add3A_163 : i32
      %lt3A_165 = arith.constant 100 : i32
      %lt3A_166 = arith.cmpi slt, %add3A_164, %lt3A_165 : i32
      %convert_element_type3A_167 = arith.extui %lt3A_166 : i1 to i32
      %cond3A_168 = arith.constant 0 : i32
      %cond3A_169 = arith.cmpi ne, %convert_element_type3A_167, %cond3A_168 : i32
      scf.if %cond3A_169 {
        %add3A_254 = arith.constant 2 : i32
        %add3A_255 = arith.addi %add3A_131, %add3A_254 : i32
        %ge3A = arith.constant 4 : i32
        %ge3A_256 = arith.cmpi sge, %add3A_255, %ge3A : i32
        %convert_element_type3A_257 = arith.extui %ge3A_256 : i1 to i32
        %cond3A_258 = arith.constant 0 : i32
        %cond3A_259 = arith.cmpi ne, %convert_element_type3A_257, %cond3A_258 : i32
        scf.if %cond3A_259 {
          %dma_wait3A_273 = arith.constant 3 : i32
          %dma_wait3A_274 = arith.constant 0 : i32
          %dma_wait3A_275 = arith.constant 0 : i32
          %dma_wait3A_276 = tpu.memref_slice %arg6[%dma_wait3A_273, %dma_wait3A_274, %dma_wait3A_275] : memref<4x256x32xf32, #tpu.memory_space<vmem>> -> memref<1x256x32xf32, #tpu.memory_space<vmem>>
          %dma_wait3A_277 = tpu.memref_squeeze %dma_wait3A_276 : memref<1x256x32xf32, #tpu.memory_space<vmem>> -> memref<256x32xf32, #tpu.memory_space<vmem>>
          %dma_wait3A_278 = arith.constant 0 : i32
          %dma_wait3A_279 = arith.constant 0 : i32
          %dma_wait3A_280 = tpu.memref_slice %arg4[%dma_wait3A_278, %dma_wait3A_279] : memref<819200x32xf32, #tpu.memory_space<hbm>> -> memref<256x32xf32, #tpu.memory_space<hbm>>
          %dma_wait3A_281 = arith.constant 0 : i32
          %dma_wait3A_282 = arith.constant 0 : i32
          %dma_wait3A_283 = tpu.memref_slice %arg4[%dma_wait3A_281, %dma_wait3A_282] : memref<819200x32xf32, #tpu.memory_space<hbm>> -> memref<256x32xf32, #tpu.memory_space<hbm>>
          %dma_wait3A_284 = arith.constant 0 : i32
          %dma_wait3A_285 = arith.constant 0 : i32
          %dma_wait3A_286 = tpu.memref_slice %arg6[%dma_wait3A_273, %dma_wait3A_284, %dma_wait3A_285] : memref<4x256x32xf32, #tpu.memory_space<vmem>> -> memref<1x256x32xf32, #tpu.memory_space<vmem>>
          %dma_wait3A_287 = tpu.memref_squeeze %dma_wait3A_286 : memref<1x256x32xf32, #tpu.memory_space<vmem>> -> memref<256x32xf32, #tpu.memory_space<vmem>>
          tpu.wait_dma2 semaphore(%arg14 : memref<!tpu.dma_semaphore, #tpu.memory_space<semaphore_mem>>) src(%dma_wait3A_287 : memref<256x32xf32, #tpu.memory_space<vmem>>) dst(%dma_wait3A_283 : memref<256x32xf32, #tpu.memory_space<hbm>>)
        } else {
        }
        %add3A_260 = arith.constant 2 : i32
        %add3A_261 = arith.addi %add3A_131, %add3A_260 : i32
        %mul3A_262 = arith.constant 256 : i32
        %mul3A_263 = arith.muli %mul3A_262, %add3A_261 : i32
        %dma_start3A_264 = arith.constant 3 : i32
        %dma_start3A_265 = arith.constant 0 : i32
        %dma_start3A_266 = arith.constant 0 : i32
        %dma_start3A_267 = tpu.memref_slice %arg6[%dma_start3A_264, %dma_start3A_265, %dma_start3A_266] : memref<4x256x32xf32, #tpu.memory_space<vmem>> -> memref<1x256x32xf32, #tpu.memory_space<vmem>>
        %dma_start3A_268 = tpu.memref_squeeze %dma_start3A_267 : memref<1x256x32xf32, #tpu.memory_space<vmem>> -> memref<256x32xf32, #tpu.memory_space<vmem>>
        %dma_start3A_269 = tpu.memref_slice %arg5[%mul3A_263] : memref<25600xi32, #tpu.memory_space<vmem>> -> memref<256xi32, #tpu.memory_space<vmem>>
        %dma_start3A_270 = arith.constant 0 : i32
        %dma_start3A_271 = arith.constant 0 : i32
        %dma_start3A_272 = tpu.memref_slice %arg3[%dma_start3A_270, %dma_start3A_271] : memref<1000000x32xf32, #tpu.memory_space<hbm>> -> memref<1000000x32xf32, #tpu.memory_space<hbm>>
        tpu.enqueue_indirect_dma source(%dma_start3A_272 : memref<1000000x32xf32, #tpu.memory_space<hbm>>) target(%dma_start3A_268 : memref<256x32xf32, #tpu.memory_space<vmem>>) offsets(%dma_start3A_269 : memref<256xi32, #tpu.memory_space<vmem>>) semaphore(%arg10 : memref<!tpu.dma_semaphore, #tpu.memory_space<semaphore_mem>>)
      } else {
      }
      %mul3A_170 = arith.constant 4 : i32
      %mul3A_171 = arith.muli %mul3A_170, %scan3A_88 : i32
      %add3A_172 = arith.constant 2 : i32
      %add3A_173 = arith.addi %mul3A_171, %add3A_172 : i32
      %dma_wait3A_174 = arith.constant 2 : i32
      %dma_wait3A_175 = arith.constant 0 : i32
      %dma_wait3A_176 = arith.constant 0 : i32
      %dma_wait3A_177 = tpu.memref_slice %arg6[%dma_wait3A_174, %dma_wait3A_175, %dma_wait3A_176] : memref<4x256x32xf32, #tpu.memory_space<vmem>> -> memref<1x256x32xf32, #tpu.memory_space<vmem>>
      %dma_wait3A_178 = tpu.memref_squeeze %dma_wait3A_177 : memref<1x256x32xf32, #tpu.memory_space<vmem>> -> memref<256x32xf32, #tpu.memory_space<vmem>>
      %dma_wait3A_179 = arith.constant 0 : i32
      %dma_wait3A_180 = arith.constant 0 : i32
      %dma_wait3A_181 = tpu.memref_slice %arg3[%dma_wait3A_179, %dma_wait3A_180] : memref<1000000x32xf32, #tpu.memory_space<hbm>> -> memref<256x32xf32, #tpu.memory_space<hbm>>
      %dma_wait3A_182 = arith.constant 0 : i32
      %dma_wait3A_183 = arith.constant 0 : i32
      %dma_wait3A_184 = tpu.memref_slice %arg6[%dma_wait3A_174, %dma_wait3A_182, %dma_wait3A_183] : memref<4x256x32xf32, #tpu.memory_space<vmem>> -> memref<1x256x32xf32, #tpu.memory_space<vmem>>
      %dma_wait3A_185 = tpu.memref_squeeze %dma_wait3A_184 : memref<1x256x32xf32, #tpu.memory_space<vmem>> -> memref<256x32xf32, #tpu.memory_space<vmem>>
      %dma_wait3A_186 = arith.constant 0 : i32
      %dma_wait3A_187 = arith.constant 0 : i32
      %dma_wait3A_188 = tpu.memref_slice %arg3[%dma_wait3A_186, %dma_wait3A_187] : memref<1000000x32xf32, #tpu.memory_space<hbm>> -> memref<256x32xf32, #tpu.memory_space<hbm>>
      tpu.wait_dma2 semaphore(%arg9 : memref<!tpu.dma_semaphore, #tpu.memory_space<semaphore_mem>>) src(%dma_wait3A_188 : memref<256x32xf32, #tpu.memory_space<hbm>>) dst(%dma_wait3A_185 : memref<256x32xf32, #tpu.memory_space<vmem>>)
      %add3A_189 = arith.addi %mul3A_2, %add3A_173 : i32
      %mul3A_190 = arith.constant 256 : i32
      %mul3A_191 = arith.muli %mul3A_190, %add3A_189 : i32
      %dma_start3A_192 = arith.constant 2 : i32
      %dma_start3A_193 = arith.constant 0 : i32
      %dma_start3A_194 = arith.constant 0 : i32
      %dma_start3A_195 = tpu.memref_slice %arg6[%dma_start3A_192, %dma_start3A_193, %dma_start3A_194] : memref<4x256x32xf32, #tpu.memory_space<vmem>> -> memref<1x256x32xf32, #tpu.memory_space<vmem>>
      %dma_start3A_196 = tpu.memref_squeeze %dma_start3A_195 : memref<1x256x32xf32, #tpu.memory_space<vmem>> -> memref<256x32xf32, #tpu.memory_space<vmem>>
      %dma_start3A_197 = arith.constant 0 : i32
      %dma_start3A_198 = tpu.memref_slice %arg4[%mul3A_191, %dma_start3A_197] : memref<819200x32xf32, #tpu.memory_space<hbm>> -> memref<256x32xf32, #tpu.memory_space<hbm>>
      %dma_start3A_199 = arith.constant 0 : i32
      %dma_start3A_200 = tpu.memref_slice %arg4[%mul3A_191, %dma_start3A_199] : memref<819200x32xf32, #tpu.memory_space<hbm>> -> memref<256x32xf32, #tpu.memory_space<hbm>>
      %dma_start3A_201 = arith.constant 0 : i32
      %dma_start3A_202 = arith.constant 0 : i32
      %dma_start3A_203 = tpu.memref_slice %arg6[%dma_start3A_192, %dma_start3A_201, %dma_start3A_202] : memref<4x256x32xf32, #tpu.memory_space<vmem>> -> memref<1x256x32xf32, #tpu.memory_space<vmem>>
      %dma_start3A_204 = tpu.memref_squeeze %dma_start3A_203 : memref<1x256x32xf32, #tpu.memory_space<vmem>> -> memref<256x32xf32, #tpu.memory_space<vmem>>
      tpu.enqueue_dma source(%dma_start3A_204 : memref<256x32xf32, #tpu.memory_space<vmem>>) target(%dma_start3A_200 : memref<256x32xf32, #tpu.memory_space<hbm>>) target_semaphore(%arg13 : memref<!tpu.dma_semaphore, #tpu.memory_space<semaphore_mem>>)
      %add3A_205 = arith.constant 2 : i32
      %add3A_206 = arith.addi %add3A_173, %add3A_205 : i32
      %lt3A_207 = arith.constant 100 : i32
      %lt3A_208 = arith.cmpi slt, %add3A_206, %lt3A_207 : i32
      %convert_element_type3A_209 = arith.extui %lt3A_208 : i1 to i32
      %cond3A_210 = arith.constant 0 : i32
      %cond3A_211 = arith.cmpi ne, %convert_element_type3A_209, %cond3A_210 : i32
      scf.if %cond3A_211 {
        %add3A_254 = arith.constant 2 : i32
        %add3A_255 = arith.addi %add3A_173, %add3A_254 : i32
        %ge3A = arith.constant 4 : i32
        %ge3A_256 = arith.cmpi sge, %add3A_255, %ge3A : i32
        %convert_element_type3A_257 = arith.extui %ge3A_256 : i1 to i32
        %cond3A_258 = arith.constant 0 : i32
        %cond3A_259 = arith.cmpi ne, %convert_element_type3A_257, %cond3A_258 : i32
        scf.if %cond3A_259 {
          %dma_wait3A_273 = arith.constant 0 : i32
          %dma_wait3A_274 = arith.constant 0 : i32
          %dma_wait3A_275 = arith.constant 0 : i32
          %dma_wait3A_276 = tpu.memref_slice %arg6[%dma_wait3A_273, %dma_wait3A_274, %dma_wait3A_275] : memref<4x256x32xf32, #tpu.memory_space<vmem>> -> memref<1x256x32xf32, #tpu.memory_space<vmem>>
          %dma_wait3A_277 = tpu.memref_squeeze %dma_wait3A_276 : memref<1x256x32xf32, #tpu.memory_space<vmem>> -> memref<256x32xf32, #tpu.memory_space<vmem>>
          %dma_wait3A_278 = arith.constant 0 : i32
          %dma_wait3A_279 = arith.constant 0 : i32
          %dma_wait3A_280 = tpu.memref_slice %arg4[%dma_wait3A_278, %dma_wait3A_279] : memref<819200x32xf32, #tpu.memory_space<hbm>> -> memref<256x32xf32, #tpu.memory_space<hbm>>
          %dma_wait3A_281 = arith.constant 0 : i32
          %dma_wait3A_282 = arith.constant 0 : i32
          %dma_wait3A_283 = tpu.memref_slice %arg4[%dma_wait3A_281, %dma_wait3A_282] : memref<819200x32xf32, #tpu.memory_space<hbm>> -> memref<256x32xf32, #tpu.memory_space<hbm>>
          %dma_wait3A_284 = arith.constant 0 : i32
          %dma_wait3A_285 = arith.constant 0 : i32
          %dma_wait3A_286 = tpu.memref_slice %arg6[%dma_wait3A_273, %dma_wait3A_284, %dma_wait3A_285] : memref<4x256x32xf32, #tpu.memory_space<vmem>> -> memref<1x256x32xf32, #tpu.memory_space<vmem>>
          %dma_wait3A_287 = tpu.memref_squeeze %dma_wait3A_286 : memref<1x256x32xf32, #tpu.memory_space<vmem>> -> memref<256x32xf32, #tpu.memory_space<vmem>>
          tpu.wait_dma2 semaphore(%arg11 : memref<!tpu.dma_semaphore, #tpu.memory_space<semaphore_mem>>) src(%dma_wait3A_287 : memref<256x32xf32, #tpu.memory_space<vmem>>) dst(%dma_wait3A_283 : memref<256x32xf32, #tpu.memory_space<hbm>>)
        } else {
        }
        %add3A_260 = arith.constant 2 : i32
        %add3A_261 = arith.addi %add3A_173, %add3A_260 : i32
        %mul3A_262 = arith.constant 256 : i32
        %mul3A_263 = arith.muli %mul3A_262, %add3A_261 : i32
        %dma_start3A_264 = arith.constant 0 : i32
        %dma_start3A_265 = arith.constant 0 : i32
        %dma_start3A_266 = arith.constant 0 : i32
        %dma_start3A_267 = tpu.memref_slice %arg6[%dma_start3A_264, %dma_start3A_265, %dma_start3A_266] : memref<4x256x32xf32, #tpu.memory_space<vmem>> -> memref<1x256x32xf32, #tpu.memory_space<vmem>>
        %dma_start3A_268 = tpu.memref_squeeze %dma_start3A_267 : memref<1x256x32xf32, #tpu.memory_space<vmem>> -> memref<256x32xf32, #tpu.memory_space<vmem>>
        %dma_start3A_269 = tpu.memref_slice %arg5[%mul3A_263] : memref<25600xi32, #tpu.memory_space<vmem>> -> memref<256xi32, #tpu.memory_space<vmem>>
        %dma_start3A_270 = arith.constant 0 : i32
        %dma_start3A_271 = arith.constant 0 : i32
        %dma_start3A_272 = tpu.memref_slice %arg3[%dma_start3A_270, %dma_start3A_271] : memref<1000000x32xf32, #tpu.memory_space<hbm>> -> memref<1000000x32xf32, #tpu.memory_space<hbm>>
        tpu.enqueue_indirect_dma source(%dma_start3A_272 : memref<1000000x32xf32, #tpu.memory_space<hbm>>) target(%dma_start3A_268 : memref<256x32xf32, #tpu.memory_space<vmem>>) offsets(%dma_start3A_269 : memref<256xi32, #tpu.memory_space<vmem>>) semaphore(%arg7 : memref<!tpu.dma_semaphore, #tpu.memory_space<semaphore_mem>>)
      } else {
      }
      %mul3A_212 = arith.constant 4 : i32
      %mul3A_213 = arith.muli %mul3A_212, %scan3A_88 : i32
      %add3A_214 = arith.constant 3 : i32
      %add3A_215 = arith.addi %mul3A_213, %add3A_214 : i32
      %dma_wait3A_216 = arith.constant 3 : i32
      %dma_wait3A_217 = arith.constant 0 : i32
      %dma_wait3A_218 = arith.constant 0 : i32
      %dma_wait3A_219 = tpu.memref_slice %arg6[%dma_wait3A_216, %dma_wait3A_217, %dma_wait3A_218] : memref<4x256x32xf32, #tpu.memory_space<vmem>> -> memref<1x256x32xf32, #tpu.memory_space<vmem>>
      %dma_wait3A_220 = tpu.memref_squeeze %dma_wait3A_219 : memref<1x256x32xf32, #tpu.memory_space<vmem>> -> memref<256x32xf32, #tpu.memory_space<vmem>>
      %dma_wait3A_221 = arith.constant 0 : i32
      %dma_wait3A_222 = arith.constant 0 : i32
      %dma_wait3A_223 = tpu.memref_slice %arg3[%dma_wait3A_221, %dma_wait3A_222] : memref<1000000x32xf32, #tpu.memory_space<hbm>> -> memref<256x32xf32, #tpu.memory_space<hbm>>
      %dma_wait3A_224 = arith.constant 0 : i32
      %dma_wait3A_225 = arith.constant 0 : i32
      %dma_wait3A_226 = tpu.memref_slice %arg6[%dma_wait3A_216, %dma_wait3A_224, %dma_wait3A_225] : memref<4x256x32xf32, #tpu.memory_space<vmem>> -> memref<1x256x32xf32, #tpu.memory_space<vmem>>
      %dma_wait3A_227 = tpu.memref_squeeze %dma_wait3A_226 : memref<1x256x32xf32, #tpu.memory_space<vmem>> -> memref<256x32xf32, #tpu.memory_space<vmem>>
      %dma_wait3A_228 = arith.constant 0 : i32
      %dma_wait3A_229 = arith.constant 0 : i32
      %dma_wait3A_230 = tpu.memref_slice %arg3[%dma_wait3A_228, %dma_wait3A_229] : memref<1000000x32xf32, #tpu.memory_space<hbm>> -> memref<256x32xf32, #tpu.memory_space<hbm>>
      tpu.wait_dma2 semaphore(%arg10 : memref<!tpu.dma_semaphore, #tpu.memory_space<semaphore_mem>>) src(%dma_wait3A_230 : memref<256x32xf32, #tpu.memory_space<hbm>>) dst(%dma_wait3A_227 : memref<256x32xf32, #tpu.memory_space<vmem>>)
      %add3A_231 = arith.addi %mul3A_2, %add3A_215 : i32
      %mul3A_232 = arith.constant 256 : i32
      %mul3A_233 = arith.muli %mul3A_232, %add3A_231 : i32
      %dma_start3A_234 = arith.constant 3 : i32
      %dma_start3A_235 = arith.constant 0 : i32
      %dma_start3A_236 = arith.constant 0 : i32
      %dma_start3A_237 = tpu.memref_slice %arg6[%dma_start3A_234, %dma_start3A_235, %dma_start3A_236] : memref<4x256x32xf32, #tpu.memory_space<vmem>> -> memref<1x256x32xf32, #tpu.memory_space<vmem>>
      %dma_start3A_238 = tpu.memref_squeeze %dma_start3A_237 : memref<1x256x32xf32, #tpu.memory_space<vmem>> -> memref<256x32xf32, #tpu.memory_space<vmem>>
      %dma_start3A_239 = arith.constant 0 : i32
      %dma_start3A_240 = tpu.memref_slice %arg4[%mul3A_233, %dma_start3A_239] : memref<819200x32xf32, #tpu.memory_space<hbm>> -> memref<256x32xf32, #tpu.memory_space<hbm>>
      %dma_start3A_241 = arith.constant 0 : i32
      %dma_start3A_242 = tpu.memref_slice %arg4[%mul3A_233, %dma_start3A_241] : memref<819200x32xf32, #tpu.memory_space<hbm>> -> memref<256x32xf32, #tpu.memory_space<hbm>>
      %dma_start3A_243 = arith.constant 0 : i32
      %dma_start3A_244 = arith.constant 0 : i32
      %dma_start3A_245 = tpu.memref_slice %arg6[%dma_start3A_234, %dma_start3A_243, %dma_start3A_244] : memref<4x256x32xf32, #tpu.memory_space<vmem>> -> memref<1x256x32xf32, #tpu.memory_space<vmem>>
      %dma_start3A_246 = tpu.memref_squeeze %dma_start3A_245 : memref<1x256x32xf32, #tpu.memory_space<vmem>> -> memref<256x32xf32, #tpu.memory_space<vmem>>
      tpu.enqueue_dma source(%dma_start3A_246 : memref<256x32xf32, #tpu.memory_space<vmem>>) target(%dma_start3A_242 : memref<256x32xf32, #tpu.memory_space<hbm>>) target_semaphore(%arg14 : memref<!tpu.dma_semaphore, #tpu.memory_space<semaphore_mem>>)
      %add3A_247 = arith.constant 2 : i32
      %add3A_248 = arith.addi %add3A_215, %add3A_247 : i32
      %lt3A_249 = arith.constant 100 : i32
      %lt3A_250 = arith.cmpi slt, %add3A_248, %lt3A_249 : i32
      %convert_element_type3A_251 = arith.extui %lt3A_250 : i1 to i32
      %cond3A_252 = arith.constant 0 : i32
      %cond3A_253 = arith.cmpi ne, %convert_element_type3A_251, %cond3A_252 : i32
      scf.if %cond3A_253 {
        %add3A_254 = arith.constant 2 : i32
        %add3A_255 = arith.addi %add3A_215, %add3A_254 : i32
        %ge3A = arith.constant 4 : i32
        %ge3A_256 = arith.cmpi sge, %add3A_255, %ge3A : i32
        %convert_element_type3A_257 = arith.extui %ge3A_256 : i1 to i32
        %cond3A_258 = arith.constant 0 : i32
        %cond3A_259 = arith.cmpi ne, %convert_element_type3A_257, %cond3A_258 : i32
        scf.if %cond3A_259 {
          %dma_wait3A_273 = arith.constant 1 : i32
          %dma_wait3A_274 = arith.constant 0 : i32
          %dma_wait3A_275 = arith.constant 0 : i32
          %dma_wait3A_276 = tpu.memref_slice %arg6[%dma_wait3A_273, %dma_wait3A_274, %dma_wait3A_275] : memref<4x256x32xf32, #tpu.memory_space<vmem>> -> memref<1x256x32xf32, #tpu.memory_space<vmem>>
          %dma_wait3A_277 = tpu.memref_squeeze %dma_wait3A_276 : memref<1x256x32xf32, #tpu.memory_space<vmem>> -> memref<256x32xf32, #tpu.memory_space<vmem>>
          %dma_wait3A_278 = arith.constant 0 : i32
          %dma_wait3A_279 = arith.constant 0 : i32
          %dma_wait3A_280 = tpu.memref_slice %arg4[%dma_wait3A_278, %dma_wait3A_279] : memref<819200x32xf32, #tpu.memory_space<hbm>> -> memref<256x32xf32, #tpu.memory_space<hbm>>
          %dma_wait3A_281 = arith.constant 0 : i32
          %dma_wait3A_282 = arith.constant 0 : i32
          %dma_wait3A_283 = tpu.memref_slice %arg4[%dma_wait3A_281, %dma_wait3A_282] : memref<819200x32xf32, #tpu.memory_space<hbm>> -> memref<256x32xf32, #tpu.memory_space<hbm>>
          %dma_wait3A_284 = arith.constant 0 : i32
          %dma_wait3A_285 = arith.constant 0 : i32
          %dma_wait3A_286 = tpu.memref_slice %arg6[%dma_wait3A_273, %dma_wait3A_284, %dma_wait3A_285] : memref<4x256x32xf32, #tpu.memory_space<vmem>> -> memref<1x256x32xf32, #tpu.memory_space<vmem>>
          %dma_wait3A_287 = tpu.memref_squeeze %dma_wait3A_286 : memref<1x256x32xf32, #tpu.memory_space<vmem>> -> memref<256x32xf32, #tpu.memory_space<vmem>>
          tpu.wait_dma2 semaphore(%arg12 : memref<!tpu.dma_semaphore, #tpu.memory_space<semaphore_mem>>) src(%dma_wait3A_287 : memref<256x32xf32, #tpu.memory_space<vmem>>) dst(%dma_wait3A_283 : memref<256x32xf32, #tpu.memory_space<hbm>>)
        } else {
        }
        %add3A_260 = arith.constant 2 : i32
        %add3A_261 = arith.addi %add3A_215, %add3A_260 : i32
        %mul3A_262 = arith.constant 256 : i32
        %mul3A_263 = arith.muli %mul3A_262, %add3A_261 : i32
        %dma_start3A_264 = arith.constant 1 : i32
        %dma_start3A_265 = arith.constant 0 : i32
        %dma_start3A_266 = arith.constant 0 : i32
        %dma_start3A_267 = tpu.memref_slice %arg6[%dma_start3A_264, %dma_start3A_265, %dma_start3A_266] : memref<4x256x32xf32, #tpu.memory_space<vmem>> -> memref<1x256x32xf32, #tpu.memory_space<vmem>>
        %dma_start3A_268 = tpu.memref_squeeze %dma_start3A_267 : memref<1x256x32xf32, #tpu.memory_space<vmem>> -> memref<256x32xf32, #tpu.memory_space<vmem>>
        %dma_start3A_269 = tpu.memref_slice %arg5[%mul3A_263] : memref<25600xi32, #tpu.memory_space<vmem>> -> memref<256xi32, #tpu.memory_space<vmem>>
        %dma_start3A_270 = arith.constant 0 : i32
        %dma_start3A_271 = arith.constant 0 : i32
        %dma_start3A_272 = tpu.memref_slice %arg3[%dma_start3A_270, %dma_start3A_271] : memref<1000000x32xf32, #tpu.memory_space<hbm>> -> memref<1000000x32xf32, #tpu.memory_space<hbm>>
        tpu.enqueue_indirect_dma source(%dma_start3A_272 : memref<1000000x32xf32, #tpu.memory_space<hbm>>) target(%dma_start3A_268 : memref<256x32xf32, #tpu.memory_space<vmem>>) offsets(%dma_start3A_269 : memref<256xi32, #tpu.memory_space<vmem>>) semaphore(%arg8 : memref<!tpu.dma_semaphore, #tpu.memory_space<semaphore_mem>>)
      } else {
      }
    }
    %scan3A_28 = arith.constant 25 : i32
    %dma_wait3A = arith.constant 0 : i32
    %dma_wait3A_29 = arith.constant 0 : i32
    %dma_wait3A_30 = arith.constant 0 : i32
    %dma_wait3A_31 = tpu.memref_slice %arg6[%dma_wait3A, %dma_wait3A_29, %dma_wait3A_30] : memref<4x256x32xf32, #tpu.memory_space<vmem>> -> memref<1x256x32xf32, #tpu.memory_space<vmem>>
    %dma_wait3A_32 = tpu.memref_squeeze %dma_wait3A_31 : memref<1x256x32xf32, #tpu.memory_space<vmem>> -> memref<256x32xf32, #tpu.memory_space<vmem>>
    %dma_wait3A_33 = arith.constant 0 : i32
    %dma_wait3A_34 = arith.constant 0 : i32
    %dma_wait3A_35 = tpu.memref_slice %arg4[%dma_wait3A_33, %dma_wait3A_34] : memref<819200x32xf32, #tpu.memory_space<hbm>> -> memref<256x32xf32, #tpu.memory_space<hbm>>
    %dma_wait3A_36 = arith.constant 0 : i32
    %dma_wait3A_37 = arith.constant 0 : i32
    %dma_wait3A_38 = tpu.memref_slice %arg4[%dma_wait3A_36, %dma_wait3A_37] : memref<819200x32xf32, #tpu.memory_space<hbm>> -> memref<256x32xf32, #tpu.memory_space<hbm>>
    %dma_wait3A_39 = arith.constant 0 : i32
    %dma_wait3A_40 = arith.constant 0 : i32
    %dma_wait3A_41 = tpu.memref_slice %arg6[%dma_wait3A, %dma_wait3A_39, %dma_wait3A_40] : memref<4x256x32xf32, #tpu.memory_space<vmem>> -> memref<1x256x32xf32, #tpu.memory_space<vmem>>
    %dma_wait3A_42 = tpu.memref_squeeze %dma_wait3A_41 : memref<1x256x32xf32, #tpu.memory_space<vmem>> -> memref<256x32xf32, #tpu.memory_space<vmem>>
    tpu.wait_dma2 semaphore(%arg11 : memref<!tpu.dma_semaphore, #tpu.memory_space<semaphore_mem>>) src(%dma_wait3A_42 : memref<256x32xf32, #tpu.memory_space<vmem>>) dst(%dma_wait3A_38 : memref<256x32xf32, #tpu.memory_space<hbm>>)
    %dma_wait3A_43 = arith.constant 1 : i32
    %dma_wait3A_44 = arith.constant 0 : i32
    %dma_wait3A_45 = arith.constant 0 : i32
    %dma_wait3A_46 = tpu.memref_slice %arg6[%dma_wait3A_43, %dma_wait3A_44, %dma_wait3A_45] : memref<4x256x32xf32, #tpu.memory_space<vmem>> -> memref<1x256x32xf32, #tpu.memory_space<vmem>>
    %dma_wait3A_47 = tpu.memref_squeeze %dma_wait3A_46 : memref<1x256x32xf32, #tpu.memory_space<vmem>> -> memref<256x32xf32, #tpu.memory_space<vmem>>
    %dma_wait3A_48 = arith.constant 0 : i32
    %dma_wait3A_49 = arith.constant 0 : i32
    %dma_wait3A_50 = tpu.memref_slice %arg4[%dma_wait3A_48, %dma_wait3A_49] : memref<819200x32xf32, #tpu.memory_space<hbm>> -> memref<256x32xf32, #tpu.memory_space<hbm>>
    %dma_wait3A_51 = arith.constant 0 : i32
    %dma_wait3A_52 = arith.constant 0 : i32
    %dma_wait3A_53 = tpu.memref_slice %arg4[%dma_wait3A_51, %dma_wait3A_52] : memref<819200x32xf32, #tpu.memory_space<hbm>> -> memref<256x32xf32, #tpu.memory_space<hbm>>
    %dma_wait3A_54 = arith.constant 0 : i32
    %dma_wait3A_55 = arith.constant 0 : i32
    %dma_wait3A_56 = tpu.memref_slice %arg6[%dma_wait3A_43, %dma_wait3A_54, %dma_wait3A_55] : memref<4x256x32xf32, #tpu.memory_space<vmem>> -> memref<1x256x32xf32, #tpu.memory_space<vmem>>
    %dma_wait3A_57 = tpu.memref_squeeze %dma_wait3A_56 : memref<1x256x32xf32, #tpu.memory_space<vmem>> -> memref<256x32xf32, #tpu.memory_space<vmem>>
    tpu.wait_dma2 semaphore(%arg12 : memref<!tpu.dma_semaphore, #tpu.memory_space<semaphore_mem>>) src(%dma_wait3A_57 : memref<256x32xf32, #tpu.memory_space<vmem>>) dst(%dma_wait3A_53 : memref<256x32xf32, #tpu.memory_space<hbm>>)
    %dma_wait3A_58 = arith.constant 2 : i32
    %dma_wait3A_59 = arith.constant 0 : i32
    %dma_wait3A_60 = arith.constant 0 : i32
    %dma_wait3A_61 = tpu.memref_slice %arg6[%dma_wait3A_58, %dma_wait3A_59, %dma_wait3A_60] : memref<4x256x32xf32, #tpu.memory_space<vmem>> -> memref<1x256x32xf32, #tpu.memory_space<vmem>>
    %dma_wait3A_62 = tpu.memref_squeeze %dma_wait3A_61 : memref<1x256x32xf32, #tpu.memory_space<vmem>> -> memref<256x32xf32, #tpu.memory_space<vmem>>
    %dma_wait3A_63 = arith.constant 0 : i32
    %dma_wait3A_64 = arith.constant 0 : i32
    %dma_wait3A_65 = tpu.memref_slice %arg4[%dma_wait3A_63, %dma_wait3A_64] : memref<819200x32xf32, #tpu.memory_space<hbm>> -> memref<256x32xf32, #tpu.memory_space<hbm>>
    %dma_wait3A_66 = arith.constant 0 : i32
    %dma_wait3A_67 = arith.constant 0 : i32
    %dma_wait3A_68 = tpu.memref_slice %arg4[%dma_wait3A_66, %dma_wait3A_67] : memref<819200x32xf32, #tpu.memory_space<hbm>> -> memref<256x32xf32, #tpu.memory_space<hbm>>
    %dma_wait3A_69 = arith.constant 0 : i32
    %dma_wait3A_70 = arith.constant 0 : i32
    %dma_wait3A_71 = tpu.memref_slice %arg6[%dma_wait3A_58, %dma_wait3A_69, %dma_wait3A_70] : memref<4x256x32xf32, #tpu.memory_space<vmem>> -> memref<1x256x32xf32, #tpu.memory_space<vmem>>
    %dma_wait3A_72 = tpu.memref_squeeze %dma_wait3A_71 : memref<1x256x32xf32, #tpu.memory_space<vmem>> -> memref<256x32xf32, #tpu.memory_space<vmem>>
    tpu.wait_dma2 semaphore(%arg13 : memref<!tpu.dma_semaphore, #tpu.memory_space<semaphore_mem>>) src(%dma_wait3A_72 : memref<256x32xf32, #tpu.memory_space<vmem>>) dst(%dma_wait3A_68 : memref<256x32xf32, #tpu.memory_space<hbm>>)
    %dma_wait3A_73 = arith.constant 3 : i32
    %dma_wait3A_74 = arith.constant 0 : i32
    %dma_wait3A_75 = arith.constant 0 : i32
    %dma_wait3A_76 = tpu.memref_slice %arg6[%dma_wait3A_73, %dma_wait3A_74, %dma_wait3A_75] : memref<4x256x32xf32, #tpu.memory_space<vmem>> -> memref<1x256x32xf32, #tpu.memory_space<vmem>>
    %dma_wait3A_77 = tpu.memref_squeeze %dma_wait3A_76 : memref<1x256x32xf32, #tpu.memory_space<vmem>> -> memref<256x32xf32, #tpu.memory_space<vmem>>
    %dma_wait3A_78 = arith.constant 0 : i32
    %dma_wait3A_79 = arith.constant 0 : i32
    %dma_wait3A_80 = tpu.memref_slice %arg4[%dma_wait3A_78, %dma_wait3A_79] : memref<819200x32xf32, #tpu.memory_space<hbm>> -> memref<256x32xf32, #tpu.memory_space<hbm>>
    %dma_wait3A_81 = arith.constant 0 : i32
    %dma_wait3A_82 = arith.constant 0 : i32
    %dma_wait3A_83 = tpu.memref_slice %arg4[%dma_wait3A_81, %dma_wait3A_82] : memref<819200x32xf32, #tpu.memory_space<hbm>> -> memref<256x32xf32, #tpu.memory_space<hbm>>
    %dma_wait3A_84 = arith.constant 0 : i32
    %dma_wait3A_85 = arith.constant 0 : i32
    %dma_wait3A_86 = tpu.memref_slice %arg6[%dma_wait3A_73, %dma_wait3A_84, %dma_wait3A_85] : memref<4x256x32xf32, #tpu.memory_space<vmem>> -> memref<1x256x32xf32, #tpu.memory_space<vmem>>
    %dma_wait3A_87 = tpu.memref_squeeze %dma_wait3A_86 : memref<1x256x32xf32, #tpu.memory_space<vmem>> -> memref<256x32xf32, #tpu.memory_space<vmem>>
    tpu.wait_dma2 semaphore(%arg14 : memref<!tpu.dma_semaphore, #tpu.memory_space<semaphore_mem>>) src(%dma_wait3A_87 : memref<256x32xf32, #tpu.memory_space<vmem>>) dst(%dma_wait3A_83 : memref<256x32xf32, #tpu.memory_space<hbm>>)
    return
  }
}

</mosaic_0001>

<sc_bundles>
// kernel: _gather.3.cloned.1.call-start
scs
__scs_entry_jumppad:
0x0: {  	(pc) =	sbr.rel $0x88, $3  }
0x1: {  	(tag) =	ssettag $0x0;
	lr =	simm.s32 $0x1  }
0x2: {  	[smem:$0x3F9F] =	sst lr;
	_ =	strace $0xD0000000  }
0x3: {  	_ = 	snop  }
0x4: {  	_ = 	snop  }
0x5: {  	_ = 	snop  }
0x6: {  	_ = 	snop  }
0x7: {  	_ = 	snop  }
__scs_overlays_trampoline_lowered:
0x8: {  	[smem:$0x3FAE] =	sst s0  }
0x9: {  	[smem:$0x3FAF] =	sst s1  }
0xa: {  	[smem:$0x3FB0] =	sst s2  }
0xb: {  	[smem:$0x3FB1] =	sst s3  }
0xc: {  	[smem:$0x3FB2] =	sst s4  }
0xd: {  	[smem:$0x3FB3] =	sst s5  }
0xe: {  	[smem:$0x3FB4] =	sst s6  }
0xf: {  	[smem:$0x3FB5] =	sst s7  }
0x10: {  	[smem:$0x3FB6] =	sst s8  }
0x11: {  	[smem:$0x3FB7] =	sst s9;
	s0 =	simm.s32 @!p0 $0x0  }
0x12: {  	s1 =	sld [smem:$0x3F9D];
	s0 =	simm.s32 @p0 $0x1  }
0x13: {  	[smem:$0x3FB8] =	sst s0;
	s0 =	simm.s32 @!p1 $0x0  }
0x14: {  	s2 =	sld [smem:$0x3F9C];
	s0 =	simm.s32 @p1 $0x1  }
0x15: {  	[smem:$0x3FB9] =	sst s0;
	s0 =	simm.s32 @!p2 $0x0  }
0x16: {  	s3 =	sld [smem:$0x3FDB];
	s0 =	simm.s32 @p2 $0x1  }
0x17: {  	s4 =	simm.s32 $0x1BF5;
	[smem:$0x3FBB] =	sst s0  }
0x18: {  	s0 =	sld [smem:$0x3F9E];
	_ =	swait.ge [sflag:s4], $0x0  }
0x19: {  	s7 =	sld [smem:$0x3F9F]  }
0x1a: {  	s8 =	sadd.s32 $0xFFFFE003, lr  }
0x1b: {  	s9 =	sadd.s32 $0xFFFFFEF7, lr;
	s5 =	simm.s32 $0xFFFFFFFF;
	p2 =	slt.u32 s8, $0xFFFFF086  }
0x1c: {  	p1 =	slt.u32 s9, $0xF7A;
	s5 =	simm.s32 @!p2 $0x0  }
0x1d: {  	s5 =	simm.s32 @p1 $0x1;
	p0 =	seq.s32 s7, s2  }
0x1e: {  	s7 =	smul.u32 @!p0 $0xF7A, s2;
	p2 =	seq.s32 @!p0 s5, $0x0  }
0x1f: {  	s9 =	smul.u32 $0xF7A, s1;
	s8 =	simm.s32 @!p0 $0x1BF5;
	p2 =	por !p2, p0  }
0x20: {  	[sflag:s8] =	ssyncset.s32 @!p0 $0xFFFFF086;
	s6 =	sadd.s32 @!p0 s3, s7;
	s7 =	simm.s32 @!p0 $0x108  }
0x21: {  	s3 =	sadd.s32 s3, s9;
	s6 =	sadd.s32 @!p0 $0x88, s6;
	s7 =	simm.s32 @p2 $0x1082  }
0x22: {  	[simem:s7], [sflag:s8] =	dma.local @!p0 [hbm:s6], $0xF7A  }
0x23: {  	s9 =	sor.u32 $0xD0000000, s2;
	s6 =	simm.s32 $0x108;
	_ =	swait.ge @!p0 [sflag:s8], $0x0  }
0x24: {  	s3 =	sadd.s32 $0x88, s3;
	s6 =	simm.s32 @!p1 $0x1082;
	[sflag:s4] =	ssyncset.s32 $0xFFFFF086  }
0x25: {  	[simem:s6], [sflag:s4] =	dma.local [hbm:s3], $0xF7A  }
0x26: {  	[smem:$0x3F9F] =	sst s1;
	(tag) =	ssettag s2;
	_ =	strace s9  }
0x27: {  	s1 =	sld [smem:$0x3FAF]  }
0x28: {  	s2 =	sld [smem:$0x3FB0]  }
0x29: {  	s4 =	sld [smem:$0x3FB2]  }
0x2a: {  	p0 =	seq.s32 s5, $0x0;
	s5 =	sld [smem:$0x3FB3]  }
0x2b: {  	s6 =	sld [smem:$0x3FB4]  }
0x2c: {  	s7 =	sld [smem:$0x3FB5]  }
0x2d: {  	s3 =	simm.s32 $0x108;
	s8 =	sld [smem:$0x3FB6]  }
0x2e: {  	s3 =	simm.s32 @!p0 $0x1082;
	s9 =	sld [smem:$0x3FB7]  }
0x2f: {  	lr =	sadd.s32 s0, s3;
	s0 =	sld [smem:$0x3FAE]  }
0x30: {  	s3 =	sld [smem:$0x3FB1]  }
0x31: {  	[smem:$0x3FBA] =	sst s10  }
0x32: {  	s10 =	sld [smem:$0x3FB8];
	_ =	sdelay $0x3  }
0x33: {  	p0 =	seq.s32 s10, $0x1;
	s10 =	sld [smem:$0x3FBA];
	_ =	sdelay $0x3  }
0x34: {  	[smem:$0x3FBA] =	sst s10  }
0x35: {  	s10 =	sld [smem:$0x3FB9];
	_ =	sdelay $0x3  }
0x36: {  	p1 =	seq.s32 s10, $0x1;
	s10 =	sld [smem:$0x3FBA];
	_ =	sdelay $0x3  }
0x37: {  	[smem:$0x3FBA] =	sst s10  }
0x38: {  	s10 =	sld [smem:$0x3FBB]  }
0x39: {  	_ = 	snop;
	(pc) =	sbr.ind lr, $3  }
0x3a: {  	_ = 	snop  }
0x3b: {  	_ = 	snop  }
0x3c: {  	p2 =	seq.s32 s10, $0x1;
	s10 =	sld [smem:$0x3FBA]  }
0x3d: {  	_ =	shalt  }
0x3e: {  	_ =	shalt  }
0x3f: {  	_ =	shalt  }
0x40: {  	_ =	shalt  }
0x41: {  	_ =	shalt  }
0x42: {  	_ =	shalt  }
0x43: {  	_ =	shalt  }
0x44: {  	_ =	shalt  }
0x45: {  	_ =	shalt  }
0x46: {  	_ =	shalt  }
0x47: {  	_ =	shalt  }
0x48: {  	_ =	shalt  }
0x49: {  	_ =	shalt  }
0x4a: {  	_ =	shalt  }
0x4b: {  	_ =	shalt  }
0x4c: {  	_ =	shalt  }
0x4d: {  	_ =	shalt  }
0x4e: {  	_ =	shalt  }
0x4f: {  	_ =	shalt  }
0x50: {  	_ =	shalt  }
0x51: {  	_ =	shalt  }
0x52: {  	_ =	shalt  }
0x53: {  	_ =	shalt  }
0x54: {  	_ =	shalt  }
0x55: {  	_ =	shalt  }
0x56: {  	_ =	shalt  }
0x57: {  	_ =	shalt  }
0x58: {  	_ =	shalt  }
0x59: {  	_ =	shalt  }
0x5a: {  	_ =	shalt  }
0x5b: {  	_ =	shalt  }
0x5c: {  	_ =	shalt  }
0x5d: {  	_ =	shalt  }
0x5e: {  	_ =	shalt  }
0x5f: {  	_ =	shalt  }
0x60: {  	_ =	shalt  }
0x61: {  	_ =	shalt  }
0x62: {  	_ =	shalt  }
0x63: {  	_ =	shalt  }
0x64: {  	_ =	shalt  }
0x65: {  	_ =	shalt  }
0x66: {  	_ =	shalt  }
0x67: {  	_ =	shalt  }
0x68: {  	_ =	shalt  }
0x69: {  	_ =	shalt  }
0x6a: {  	_ =	shalt  }
0x6b: {  	_ =	shalt  }
0x6c: {  	_ =	shalt  }
0x6d: {  	_ =	shalt  }
0x6e: {  	_ =	shalt  }
0x6f: {  	_ =	shalt  }
0x70: {  	_ =	shalt  }
0x71: {  	_ =	shalt  }
0x72: {  	_ =	shalt  }
0x73: {  	_ =	shalt  }
0x74: {  	_ =	shalt  }
0x75: {  	_ =	shalt  }
0x76: {  	_ =	shalt  }
0x77: {  	_ =	shalt  }
0x78: {  	_ =	shalt  }
0x79: {  	_ =	shalt  }
0x7a: {  	_ =	shalt  }
0x7b: {  	_ =	shalt  }
0x7c: {  	_ =	shalt  }
0x7d: {  	_ =	shalt  }
0x7e: {  	_ =	shalt  }
0x7f: {  	_ =	shalt  }
0x80: {  	_ =	shalt  }
0x81: {  	_ =	shalt  }
0x82: {  	_ =	shalt  }
0x83: {  	_ =	shalt  }
0x84: {  	_ =	shalt  }
0x85: {  	_ =	shalt  }
0x86: {  	_ =	shalt  }
0x87: {  	_ =	shalt  }
.Lfunc_end0:
.L_simem_size_0:
called_computation.1_lowered:
.L_overlay_start_0:
0x88: {  	s2 =	sld [smem:$0x3FD9]  }
0x89: {  	s3 =	sld [smem:$0x3FFE];
	_ =	sdelay $0x1  }
0x8a: {  	s1 =	srdreg.scid  }
0x8b: {  	s0 =	sand.u32 $0x1, s1  }
0x8c: {  	s17 =	sshll.u32 s0, $0xA;
	s2 =	sadd.s32 s3, s2  }
0x8d: {  	s2 =	sadd.s32 s2, s17  }
0x8e: {  	[smem:$0x3FC6] =	sst s2  }
0x8f: {  	_ = 	snop  }
0x90: {  	s2 =	sld [smem:$0x3FC9]  }
0x91: {  	s18 =	sld [smem:$0x3FD0];
	(tm) =	ssettm $0x1  }
0x92: {  	s4 =	sld [smem:$0x3FFB];
	_ =	sdelay $0x3  }
0x93: {  	_ =	strace s4  }
0x94: {  	s4 =	sld [smem:$0x3FFC];
	_ =	sdelay $0x3  }
0x95: {  	_ =	strace s4  }
0x96: {  	s4 =	sld [smem:$0x3FFD];
	_ =	sdelay $0x3  }
0x97: {  	_ =	strace s4  }
0x98: {  	_ =	strace $0x8FFFFFFF  }
0x99: {  	s19 =	sld [smem:$0x3FDB];
	_ =	sdelay $0x1  }
0x9a: {  	s5 =	simm.s32 $_scs_section_size  }
0x9b: {  	s6 =	simm.s32 $_size__tile_overlayer_lowered;
	s7 =	simm.s32 $_tile_overlayer_lowered  }
0x9c: {  	s22 =	simm.s32 $0x1BFF;
	s21 =	sshll.u32 s7, $0x1;
	s4 =	sadd.s32 s5, s19  }
0x9d: {  	s8 =	simm.s32 $0x0;
	s20 =	sshll.u32 s6, $0x1;
	s6 =	sadd.s32 s21, s4  }
0x9e: {  	[timem:s8], [sflag:s22] =	dma.local [hbm:s6], s20  }
0x9f: {  	_ =	swait.ge [sflag:s22], s20  }
0xa0: {  	s5 =	ssub.s32 $0x0, s20;
	[sflag:s22] =	ssyncset.done $0x0  }
0xa1: {  	[sflag:s22] =	ssyncadd.s32 s5;
	_ =	sdelay $0x1  }
0xa2: {  	s23 =	simm.s32 $0x1B8B  }
0xa3: {  	_ =	swait.ge [sflag:s23], $0x1  }
0xa4: {  	[sflag:s23] =	ssyncset.done $0x0  }
0xa5: {  	s25 =	simm.s32 $0x1B8E;
	s24 =	sld [smem:$0x3FFE];
	[sflag:s23] =	ssyncadd.s32 $0xFFFFFFFF  }
0xa6: {  	s26 =	simm.s32 $execute0_lowered;
	[smem:$0x3FD2] =	sst s25  }
0xa7: {  	s6 =	sshll.u32 s26, $0x1;
	_ =	strace $0x80000046;
	[dreg:$0x1] =	wrdreg $0xFFFFFFFF  }
0xa8: {  	s28 =	simm.s32 $_size_execute0_lowered;
	s4 =	sadd.s32 s4, s6;
	[dreg:$0x0] =	wrdreg $0x0  }
0xa9: {  	s6 =	sshll.u32 s28, $0x1;
	[dreg:$0x2] =	wrdreg s4  }
0xaa: {  	[dreg:$0x3] =	wrdreg s6  }
0xab: {  	[dreg:$0x4] =	wrdreg $0xC0  }
0xac: {  	_ =	task [dreg:s8], $0x5FFFF  }
0xad: {  	[dreg:$0x1] =	wrdreg $0xFFFFFFFF  }
0xae: {  	[dreg:$0x0] =	wrdreg $0x60  }
0xaf: {  	[dreg:$0x2] =	wrdreg s2  }
0xb0: {  	[dreg:$0x3] =	wrdreg s24  }
0xb1: {  	[dreg:$0x4] =	wrdreg s18  }
0xb2: {  	[dreg:$0x5] =	wrdreg $0x9  }
0xb3: {  	_ =	task.clear_ibuf [dreg:s8], $0x6FFFF;
	_ =	strace $0x90000046  }
0xb4: {  	s29 =	simm.s32 $0x9;
	_ =	strace $0x80000048  }
0xb5: {  	_ =	swait.ge [sflag:s29], $0x1  }
0xb6: {  	[sflag:s29] =	ssyncadd.s32 $0xFFFFFFFF  }
0xb7: {  	_ =	strace $0x90000048  }
0xb8: {  	_ =	sfence  }
0xb9: {  	s30 =	sld [smem:$0x0];
	_ =	sdelay $0x2  }
0xba: {  	s31 =	sshll.u32 s1, $0xD;
	s1 =	sshrl.u32 s1, $0x2  }
0xbb: {  	s3 =	sand.u32 $0x4000, s31;
	s1 =	sadd.s32 s1, s30  }
0xbc: {  	s0 =	sor.u32 s3, s0;
	s1 =	sshll.u32 s1, $0x11  }
0xbd: {  	s0 =	sor.u32 s1, s0  }
0xbe: {  	s0 =	sadd.s32 $0x8F2B, s0  }
0xbf: {  	[sflag:s0] =	ssyncadd.remote.s32 $0x1  }
0xc0: {  	_ =	sfence.sel $0xFFFF  }
0xc1: {  	[dreg:$0x0] =	wrdreg $0xFFFFFFFF;
	(pc) =	sbr.abs _section_cstart, $3  }
0xc2: {  	[dreg:$0x1] =	wrdreg $0xFFFFFFFF  }
0xc3: {  	_ =	task.clear_ibuf [dreg:s8], $0x2FFFF;
	_ =	strace $0x9FFFFFFF  }
0xc4: {  	(tm) =	ssettm $0x7FFFFFFF  }
0xc5: {  	_ =	shalt  }
tec
execute0_lowered:
.L_overlay_start_1:
0x0: {  	(tag) =	ssettag $0x1  }
0x1: {  	s4 =	rddreg [dreg:$0x0]  }
0x2: {  	s3 =	rddreg [dreg:$0x1]  }
0x3: {  	s6 =	rddreg [dreg:$0x2]  }
0x4: {  	s0 =	rddreg [dreg:$0x3];
	s2 =	simm.s32 $0x0;
	s5 =	srdreg.scid  }
0x5: {  	s1 =	stileid.u32;
	s12 =	simm.s32 $0x8400;
	s13 =	simm.s32 $0x1  }
0x6: {  	s14 =	simm.s32 $0xA400;
	s15 =	simm.s32 $0x2;
	s16 =	simm.s32 $0xC400  }
0x7: {  	s17 =	simm.s32 $0x3;
	s18 =	simm.s32 $0x4;
	s19 =	simm.s32 $0x5  }
0x8: {  	s20 =	simm.s32 $0x6;
	s21 =	simm.s32 $0x7;
	s8 =	smul.u32 $0xC8, s1  }
0x9: {  	s22 =	simm.s32 $0x8;
	s5 =	sand.u32 $0x1, s5;
	s29 =	smul.u32 $0x32000, s1  }
0xa: {  	s23 =	simm.s32 $0x0;
	s7 =	sshll.u32 s1, $0x1;
	s9 =	smul.u32 $0x64, s5  }
0xb: {  	[smem:$0x7FF] =	sst s2;
	s7 =	sor.u32 s5, s7;
	s30 =	smul.u32 $0x19000, s5  }
0xc: {  	s3 =	sadd.s32 $0xF42C00, s3;
	s10 =	ssub.s32 $0x2, s5;
	s7 =	smul.u32 $0xC80, s7  }
.Ltmp0:
0xd: {  	_ =	strace $0x80000047;
	s11 =	sshrl.u32 s10, $0x1;
	(pc) =	sbr.rel .LBB2_1-.Ltmp0, $4  }
0xe: {  	s31 =	sadd.s32 s29, s6;
	s8 =	sadd.s32 s9, s8;
	s10 =	ssub.s32 s10, s11  }
0xf: {  	s9 =	simm.s32 $0x9;
	s11 =	simm.s32 $0x6400;
	s8 =	sshll.u32 s8, $0xA  }
0x10: {  	s4 =	sadd.s32 s4, s7;
	s5 =	sadd.s32 s8, s6;
	s6 =	smax.u32 s10, $0x1  }
0x11: {  	s8 =	sadd.s32 s30, s31;
	s10 =	simm.s32 $0x100;
	s7 =	sadd.s32 $0x800, s5  }
.LBB2_4:
0x12: {  	_ =	swait.ge [sflag:s19], $0x2000  }
0x13: {  	[sflag:s19] =	ssyncset.done $0x0  }
0x14: {  	[sflag:s19] =	ssyncadd.s32 $0xFFFFE000  }
0x15: {  	_ =	swait.ge [sflag:s20], $0x2000  }
0x16: {  	[sflag:s20] =	ssyncset.done $0x0  }
0x17: {  	s23 =	sadd.s32 $0x1, s23;
	[sflag:s20] =	ssyncadd.s32 $0xFFFFE000  }
0x18: {  	p0 =	sne.s32 s23, s6;
	_ =	swait.ge [sflag:s21], $0x2000  }
.Ltmp1:
0x19: {  	[sflag:s21] =	ssyncset.done $0x0;
	(pc) =	sbr.rel @!p0 .LBB2_5-.Ltmp1, $4  }
0x1a: {  	[sflag:s21] =	ssyncadd.s32 $0xFFFFE000  }
0x1b: {  	_ =	swait.ge [sflag:s22], $0x2000  }
0x1c: {  	[sflag:s22] =	ssyncset.done $0x0  }
0x1d: {  	[sflag:s22] =	ssyncadd.s32 $0xFFFFE000  }
.LBB2_1:
0x1e: {  	[tilespmem:s2], [sflag:$0x9] =	stream.linear.gather [hbm4b:s4+s2], $0x6400, $0x38;
	[tilespmem:$0xE400] =	vst v63  }
0x1f: {  	_ =	swait.ge [sflag:s9], $0x6400  }
0x20: {  	[sflag:s9] =	ssyncset.done $0x0  }
0x21: {  	[sflag:s9] =	ssyncadd.s32 $0xFFFF9C00  }
0x22: {  	[tilespmem:s11], [sflag:$0x1] =	stream.indirect.gather [hbm4b:s3+s10], $0x20, s2, s10, $0xb8;
	[tilespmem:$0xE400] =	vst v63  }
0x23: {  	s24 =	simm.s32 $0x0  }
0x24: {  	[tilespmem:s12], [sflag:$0x2] =	stream.indirect.gather [hbm4b:s3+s10], $0x20, s10, s10, $0xb8;
	[tilespmem:$0xE400] =	vst v63  }
.LBB2_2:
0x25: {  	_ =	swait.ge [sflag:s13], $0x2000  }
0x26: {  	p0 =	seq.s32 s24, $0x0;
	[sflag:s13] =	ssyncset.done $0x0  }
0x27: {  	s25 =	sadd.s32 s24, s8;
	s26 =	simm.s32 @!p0 $0x7;
	[sflag:s13] =	ssyncadd.s32 $0xFFFFE000  }
0x28: {  	[hbm4b:s25+s2] =	stream.linear.scatter [tilespmem:s11], [sflag:$0x5], $0x2000, $0x38;
	[tilespmem:$0xE400] =	vst v63  }
0x29: {  	_ =	swait.ge @!p0 [sflag:s26], $0x2000  }
0x2a: {  	s25 =	sshra.s32 s24, $0x2;
	[sflag:s26] =	ssyncset.done @!p0 $0x0  }
0x2b: {  	s29 =	sadd.s32 $0x200, s25;
	[sflag:s26] =	ssyncadd.s32 @!p0 $0xFFFFE000  }
0x2c: {  	[tilespmem:s14], [sflag:$0x3] =	stream.indirect.gather [hbm4b:s3+s10], $0x20, s29, s10, $0xb8;
	[tilespmem:$0xE400] =	vst v63  }
0x2d: {  	_ =	swait.ge [sflag:s15], $0x2000  }
0x2e: {  	s26 =	sadd.s32 s24, s5;
	[sflag:s15] =	ssyncset.done $0x0  }
0x2f: {  	s28 =	sadd.s32 $0x400, s26;
	[sflag:s15] =	ssyncadd.s32 $0xFFFFE000  }
0x30: {  	[hbm4b:s28+s2] =	stream.linear.scatter [tilespmem:s12], [sflag:$0x6], $0x2000, $0x38;
	[tilespmem:$0xE400] =	vst v63  }
0x31: {  	s28 =	simm.s32 @!p0 $0x8  }
0x32: {  	_ =	swait.ge @!p0 [sflag:s28], $0x2000  }
0x33: {  	[sflag:s28] =	ssyncset.done @!p0 $0x0  }
0x34: {  	s30 =	sadd.s32 $0x300, s25;
	[sflag:s28] =	ssyncadd.s32 @!p0 $0xFFFFE000  }
0x35: {  	[tilespmem:s16], [sflag:$0x4] =	stream.indirect.gather [hbm4b:s3+s10], $0x20, s30, s10, $0xb8;
	[tilespmem:$0xE400] =	vst v63  }
0x36: {  	_ =	swait.ge [sflag:s17], $0x2000  }
0x37: {  	p0 =	seq.s32 s24, $0x18000;
	[sflag:s17] =	ssyncset.done $0x0  }
0x38: {  	s31 =	sadd.s32 s24, s7;
	s28 =	simm.s32 @!p0 $0x5;
	[sflag:s17] =	ssyncadd.s32 $0xFFFFE000  }
0x39: {  	[hbm4b:s31+s2] =	stream.linear.scatter [tilespmem:s14], [sflag:$0x7], $0x2000, $0x38;
	[tilespmem:$0xE400] =	vst v63  }
0x3a: {  	_ =	swait.ge @!p0 [sflag:s28], $0x2000  }
0x3b: {  	[sflag:s28] =	ssyncset.done @!p0 $0x0  }
0x3c: {  	[sflag:s28] =	ssyncadd.s32 @!p0 $0xFFFFE000;
	s28 =	sshra.s32 @!p0 s24, $0x2  }
0x3d: {  	s29 =	simm.s32 @!p0 $0x100;
	s30 =	simm.s32 @!p0 $0x6400;
	s28 =	sadd.s32 @!p0 $0x400, s28  }
0x3e: {  	[tilespmem:s30], [sflag:$0x1] =	stream.indirect.gather @!p0 [hbm4b:s3+s29], $0x20, s28, s29, $0xb8;
	[tilespmem:$0xE400] =	vst v63  }
.Ltmp2:
0x3f: {  	_ = 	snop;
	(pc) =	sbr.rel @p0 .LBB2_4-.Ltmp2, $4  }
0x40: {  	_ =	swait.ge [sflag:s18], $0x2000  }
0x41: {  	[sflag:s18] =	ssyncset.done $0x0  }
0x42: {  	s26 =	sadd.s32 $0xC00, s26;
	[sflag:s18] =	ssyncadd.s32 $0xFFFFE000  }
0x43: {  	[hbm4b:s26+s2] =	stream.linear.scatter [tilespmem:s16], [sflag:$0x8], $0x2000, $0x38;
	[tilespmem:$0xE400] =	vst v63  }
.Ltmp3:
0x44: {  	(pc) =	sbr.rel .LBB2_2-.Ltmp3, $4  }
0x45: {  	_ =	swait.ge [sflag:s20], $0x2000  }
0x46: {  	[sflag:s20] =	ssyncset.done $0x0  }
0x47: {  	s25 =	sadd.s32 $0x500, s25;
	s24 =	sadd.s32 $0x1000, s24;
	[sflag:s20] =	ssyncadd.s32 $0xFFFFE000  }
0x48: {  	[tilespmem:s12], [sflag:$0x2] =	stream.indirect.gather [hbm4b:s3+s10], $0x20, s25, s10, $0xb8;
	[tilespmem:$0xE400] =	vst v63  }
.LBB2_5:
0x49: {  	_ =	sfence.sel $0x180000  }
0x4a: {  	[bflag:$0x0] =	sbarrier.arrive $0xFFFF  }
0x4b: {  	p0 =	sne.s32 s1, $0x0;
	_ =	strace $0x90000047  }
0x4c: {  	s0 =	sadd.s32 @!p0 $0x100000, s0;
	[bflag:$0x2] =	sbarrier.arrive $0xFFFF  }
0x4d: {  	[sflag:s0] =	ssyncadd.tile.s32 @!p0 $0x1;
	_ =	shalt  }
.Lfunc_end2:
_tile_overlayer_lowered:
.L_overlay_start_2:
0x4e: {  	(tag) =	ssettag $0x2  }
0x4f: {  	s0 =	rddreg [dreg:$0x0];
	s2 =	stileid.u32  }
0x50: {  	s1 =	rddreg [dreg:$0x1];
	p0 =	sne.s32 s2, $0x0  }
0x51: {  	s3 =	rddreg [dreg:$0x2];
	[bflag:$0x3] =	sbarrier.arrive $0xFFFF;
	s2 =	simm.s32 @!p0 $0x1C09  }
0x52: {  	[timem:s3], [sflag:s2] =	dma.local @!p0 [hbm:s0], s1  }
0x53: {  	s0 =	simm.s32 @!p0 $0x9  }
0x54: {  	_ =	swait.ge @!p0 [sflag:s0], s1  }
0x55: {  	s1 =	ssub.s32 @!p0 $0x0, s1;
	[sflag:s0] =	ssyncset.done @!p0 $0x0  }
0x56: {  	[sflag:s0] =	ssyncadd.s32 @!p0 s1  }
0x57: {  	[bflag:$0x3] =	sbarrier.arrive $0xFFFF  }
0x58: {  	_ =	shalt  }

// kernel: sparse-core-data-format-call.cloned.1.call-start
scs
called_computation_lowered:
.L_overlay_start_0:
0x0: {  	s2 =	sld [smem:$0x3FD9]  }
0x1: {  	s3 =	sld [smem:$0x3FFE];
	_ =	sdelay $0x1  }
0x2: {  	s1 =	srdreg.scid  }
0x3: {  	s0 =	sand.u32 $0x1, s1  }
0x4: {  	s18 =	sshll.u32 s0, $0xA;
	s2 =	sadd.s32 s3, s2  }
0x5: {  	s2 =	sadd.s32 s2, s18  }
0x6: {  	[smem:$0x3FC6] =	sst s2  }
0x7: {  	_ = 	snop  }
0x8: {  	s2 =	sld [smem:$0x3FD0];
	(tm) =	ssettm $0x1  }
0x9: {  	s19 =	sld [smem:$0x3FFB];
	_ =	sdelay $0x3  }
0xa: {  	_ =	strace s19  }
0xb: {  	s3 =	sld [smem:$0x3FFC];
	_ =	sdelay $0x3  }
0xc: {  	_ =	strace s3  }
0xd: {  	s3 =	sld [smem:$0x3FFD];
	_ =	sdelay $0x3  }
0xe: {  	_ =	strace s3  }
0xf: {  	_ =	strace $0x8FFFFFFF  }
0x10: {  	s20 =	sld [smem:$0x3FDB];
	_ =	sdelay $0x1  }
0x11: {  	s4 =	simm.s32 $_scs_section_size  }
0x12: {  	s5 =	simm.s32 $_size__tile_overlayer_lowered;
	s6 =	simm.s32 $_tile_overlayer_lowered  }
0x13: {  	s23 =	simm.s32 $0x1BFF;
	s22 =	sshll.u32 s6, $0x1;
	s3 =	sadd.s32 s4, s20  }
0x14: {  	s7 =	simm.s32 $0x0;
	s21 =	sshll.u32 s5, $0x1;
	s5 =	sadd.s32 s22, s3  }
0x15: {  	[timem:s7], [sflag:s23] =	dma.local [hbm:s5], s21  }
0x16: {  	_ =	swait.ge [sflag:s23], s21  }
0x17: {  	s4 =	ssub.s32 $0x0, s21;
	[sflag:s23] =	ssyncset.done $0x0  }
0x18: {  	[sflag:s23] =	ssyncadd.s32 s4;
	_ =	sdelay $0x1  }
0x19: {  	s24 =	simm.s32 $0x1B8B  }
0x1a: {  	_ =	swait.ge [sflag:s24], $0x1  }
0x1b: {  	[sflag:s24] =	ssyncset.done $0x0  }
0x1c: {  	s26 =	simm.s32 $0x1B8E;
	s25 =	sld [smem:$0x3FFE];
	[sflag:s24] =	ssyncadd.s32 $0xFFFFFFFF  }
0x1d: {  	s27 =	simm.s32 $execute0_lowered;
	[smem:$0x3FD2] =	sst s26  }
0x1e: {  	s5 =	sshll.u32 s27, $0x1;
	_ =	strace $0x80000049;
	[dreg:$0x1] =	wrdreg $0xFFFFFFFF  }
0x1f: {  	s28 =	simm.s32 $_size_execute0_lowered;
	s3 =	sadd.s32 s3, s5;
	[dreg:$0x0] =	wrdreg $0x0  }
0x20: {  	s5 =	sshll.u32 s28, $0x1;
	[dreg:$0x2] =	wrdreg s3  }
0x21: {  	[dreg:$0x3] =	wrdreg s5  }
0x22: {  	[dreg:$0x4] =	wrdreg $0xC0  }
0x23: {  	_ =	task [dreg:s7], $0x5FFFF  }
0x24: {  	[dreg:$0x1] =	wrdreg $0xFFFFFFFF  }
0x25: {  	[dreg:$0x0] =	wrdreg $0x60  }
0x26: {  	[dreg:$0x2] =	wrdreg s25  }
0x27: {  	[dreg:$0x3] =	wrdreg s2  }
0x28: {  	[dreg:$0x4] =	wrdreg $0x9  }
0x29: {  	_ =	task.clear_ibuf [dreg:s7], $0x5FFFF;
	_ =	strace $0x90000049  }
0x2a: {  	s29 =	simm.s32 $0x9;
	_ =	strace $0x8000004B  }
0x2b: {  	_ =	swait.ge [sflag:s29], $0x1  }
0x2c: {  	[sflag:s29] =	ssyncadd.s32 $0xFFFFFFFF  }
0x2d: {  	_ =	strace $0x9000004B  }
0x2e: {  	_ =	sfence  }
0x2f: {  	s30 =	sld [smem:$0x0];
	_ =	sdelay $0x2  }
0x30: {  	s31 =	sshll.u32 s1, $0xD;
	s1 =	sshrl.u32 s1, $0x2  }
0x31: {  	s3 =	sand.u32 $0x4000, s31;
	s1 =	sadd.s32 s1, s30  }
0x32: {  	s0 =	sor.u32 s3, s0;
	s1 =	sshll.u32 s1, $0x11  }
0x33: {  	s0 =	sor.u32 s1, s0  }
0x34: {  	s0 =	sadd.s32 $0x8F2B, s0  }
0x35: {  	[sflag:s0] =	ssyncadd.remote.s32 $0x1  }
0x36: {  	_ =	sfence.sel $0xFFFF  }
0x37: {  	[dreg:$0x0] =	wrdreg $0xFFFFFFFF;
	(pc) =	sbr.abs _section_cstart, $3  }
0x38: {  	[dreg:$0x1] =	wrdreg $0xFFFFFFFF  }
0x39: {  	_ =	task.clear_ibuf [dreg:s7], $0x2FFFF;
	_ =	strace $0x9FFFFFFF  }
0x3a: {  	(tm) =	ssettm $0x7FFFFFFF  }
0x3b: {  	_ =	shalt  }
tec
execute0_lowered:
.L_overlay_start_1:
0x0: {  	(tag) =	ssettag $0x1  }
0x1: {  	s0 =	srdreg.scid  }
0x2: {  	s1 =	sshll.u32 s0, $0x4  }
0x3: {  	s4 =	rddreg [dreg:$0x0];
	s0 =	stileid.u32;
	s1 =	sand.u32 $0x10, s1  }
0x4: {  	s2 =	rddreg [dreg:$0x1];
	s7 =	simm.s32 $0x1;
	s1 =	sor.u32 s0, s1  }
0x5: {  	s8 =	simm.s32 $0x2;
	s11 =	simm.s32 $0x0;
	s3 =	sshll.u32 s1, $0x7  }
0x6: {  	s10 =	simm.s32 $0x0;
	s4 =	sadd.s32 $0x800, s4;
	s6 =	ssub.s32 $0xC8000, s3  }
.Ltmp0:
0x7: {  	s1 =	rddreg [dreg:$0x2];
	s5 =	sand.u32 $0xF80, s6;
	(pc) =	sbr.rel .LBB1_1-.Ltmp0, $4  }
0x8: {  	_ =	strace $0x8000004A;
	s9 =	smov.u32 s3;
	p0 =	sne.s32 s5, $0x0  }
0x9: {  	s6 =	sshrl.u32 s6, $0xC;
	s5 =	simm.s32 $0x1;
	s7 =	simm.s32 @!p0 $0x0  }
0xa: {  	[sflag:s5] =	ssyncpa.u1 $0x0;
	p0 =	por $0x0, $0x0;
	s6 =	sadd.s32 s7, s6  }
0xb: {  	[sflag:s8] =	ssyncpa.u1 $0x0;
	s8 =	simm.s32 $0x640000;
	s7 =	sadd.s32 $0x1, s6  }
.LBB1_4:
0xc: {  	s14 =	sshll.u32 s11, $0x3  }
0xd: {  	s30 =	sand.u32 $0x7F, s11;
	s15 =	sand.u32 $0xFFFFFC00, s14  }
0xe: {  	s11 =	sor.u32 s30, s15  }
0xf: {  	s15 =	smulhi.u32 $0x51EB851F, s11  }
0x10: {  	s14 =	smulhi.u32 $0x51EB851F, s14  }
0x11: {  	s15 =	sshrl.u32 s15, $0x12  }
0x12: {  	s14 =	sshrl.u32 s14, $0x12;
	s15 =	smul.u32 $0xC8000, s15  }
0x13: {  	s14 =	sand.u32 $0x1F, s14  }
0x14: {  	s14 =	smul.u32 $0x19000, s14;
	s11 =	ssub.s32 s11, s15  }
0x15: {  	s15 =	sand.u32 $0x7, s11  }
0x16: {  	s14 =	sadd.s32 s2, s14;
	s11 =	sshrl.u32 s11, $0x3;
	s15 =	sshll.u32 s15, $0x12  }
0x17: {  	[tilespmem:s13+$0x0 ss:$0x81] =	vst.msk $0xffff, v0;
	s11 =	sadd.s32 s11, s14;
	s31 =	sor.u32 $0x400, s15  }
0x18: {  	[hbm4b:s11+s31] =	stream.strided.scatter [tilespmem:s12], [sflag:$0x2], $0x1000, s8, s31, $0x20;
	[tilespmem:$0x4040] =	vst v63  }
.LBB1_5:
0x19: {  	s13 =	sadd.s32 $0x1000, s9  }
0x1a: {  	p2 =	sgt.s32 s13, $0xC7FFF  }
0x1b: {  	s13 =	smov.u32 @p2 s3;
	p2 =	sne.s32 s10, s7  }
.Ltmp1:
0x1c: {  	p1 =	slt.u32 s10, $0x2;
	(pc) =	sbr.rel @!p2 .LBB1_6-.Ltmp1, $4  }
0x1d: {  	s12 =	simm.s32 @!p1 $0x2  }
0x1e: {  	s14 =	sadd.s32 $0x1, s10;
	_ =	swait.ge @!p1 [sflag:s12], $0x1000  }
0x1f: {  	s11 =	smov.u32 s9;
	p0 =	por !p0, !p0;
	[sflag:s12] =	ssyncset.done @!p1 $0x0  }
0x20: {  	s10 =	smov.u32 s14;
	s9 =	smov.u32 s13;
	[sflag:s12] =	ssyncadd.s32 @!p1 $0xFFFFF000  }
.LBB1_1:
0x21: {  	p1 =	sge.u32 s10, s6  }
0x22: {  	s12 =	sand.u32 @!p1 $0x1FFFFFF, s9  }
0x23: {  	s13 =	smulhi.u32 @!p1 $0x147AE15, s12;
	_ =	sdelay $0x1  }
0x24: {  	s13 =	sshrl.u32 @!p1 s13, $0xC  }
0x25: {  	s13 =	smul.u32 @!p1 $0xC8000, s13;
	_ =	sdelay $0x1  }
0x26: {  	s31 =	sadd.s32 $0xFFFFFFFF, s10;
	s14 =	sxor.u32 @!p1 $0xFFFFFFFF, s10;
	s12 =	ssub.s32 @!p1 s12, s13  }
0x27: {  	s15 =	simm.s32 @!p1 $0x80;
	s14 =	sshll.u32 @!p1 s14, $0xC;
	s12 =	sshll.u32 @!p1 s12, $0x4  }
0x28: {  	s13 =	sand.u32 @!p1 $0x1000, s14;
	s14 =	simm.s32 @!p1 $0x20;
	s12 =	sadd.s32 @!p1 s4, s12  }
0x29: {  	[tilespmem:s13], [sflag:$0x1] =	stream.strided.gather @!p1 [hbm4b:s12+s14], $0x1000, s15, s14, $0x38;
	[tilespmem:$0x4040] =	vst v63  }
0x2a: {  	p1 =	sge.u32 s31, s6  }
.Ltmp2:
0x2b: {  	_ = 	snop;
	(pc) =	sbr.rel @p1 .LBB1_5-.Ltmp2, $1  }
0x2c: {  	_ =	sdelay $0x3  }
0x2d: {  	s12 =	simm.s32 $0x1  }
0x2e: {  	_ =	swait.ge [sflag:s5], $0x1000;
	s12 =	simm.s32 @!p0 $0x0  }
0x2f: {  	[sflag:s5] =	ssyncset.done $0x0;
	s13 =	sshll.u32 s12, $0xC  }
0x30: {  	[sflag:s5] =	ssyncadd.s32 $0xFFFFF000;
	s16 =	sor.u32 $0x10, s13  }
0x31: {  	s12 =	smul.u32 $0x4080, s12;
	v1 =	vld [tilespmem:s16+$0x0]  }
0x32: {  	s30 =	sand.u32 $0x1, s10;
	v0 =	vld [tilespmem:s16+$0xFFFFFFF0]  }
0x33: {  	s13 =	smul.u32 $0x4080, s30;
	s12 =	sshrl.u32 s12, $0x2  }
0x34: {  	s14 =	sor.u32 $0x2000, s12  }
0x35: {  	s31 =	sshrl.u32 s13, $0x2;
	s13 =	sadd.s32 $0x0, s14  }
0x36: {  	s15 =	simm.s32 $0x4;
	s16 =	sadd.s32 $0x20, s16;
	s12 =	sor.u32 $0x2000, s31;
	[tilespmem:s13+$0x810 ss:$0x81] =	vst.msk $0xffff, v1  }
.LBB1_3:
0x37: {  	v1 =	vld [tilespmem:s16+$0x0];
	p1 =	sne.s32 s15, $0x1FC;
	[tilespmem:s13+$0x0 ss:$0x81] =	vst.msk $0xffff, v0;
	s13 =	smov.u32 s15;
	s15 =	sadd.s32 $0x4, s15  }
.Ltmp3:
0x38: {  	v0 =	vld [tilespmem:s16+$0xFFFFFFF0];
	(pc) =	sbr.rel @p1 .LBB1_3-.Ltmp3, $4  }
0x39: {  	_ = 	snop  }
0x3a: {  	s13 =	sshra.s32 s13, $0x2  }
0x3b: {  	s13 =	sadd.s32 s13, s14  }
0x3c: {  	s16 =	sadd.s32 $0x20, s16;
	[tilespmem:s13+$0x810 ss:$0x81] =	vst.msk $0xffff, v1  }
.Ltmp4:
0x3d: {  	_ = 	snop;
	(pc) =	sbr.rel .LBB1_4-.Ltmp4, $1  }
0x3e: {  	_ =	sdelay $0x3  }
.LBB1_6:
0x3f: {  	_ =	sfence.sel $0x180000  }
0x40: {  	s2 =	simm.s32 $0x1;
	[bflag:$0x0] =	sbarrier.arrive $0xFFFF  }
0x41: {  	s31 =	simm.s32 $0x2;
	[sflag:s2] =	ssyncpa.u1 $0x1  }
0x42: {  	[sflag:s31] =	ssyncpa.u1 $0x1  }
0x43: {  	p0 =	sne.s32 s0, $0x0;
	_ =	strace $0x9000004A  }
0x44: {  	s0 =	sadd.s32 @!p0 $0x100000, s1;
	[bflag:$0x2] =	sbarrier.arrive $0xFFFF  }
0x45: {  	[sflag:s0] =	ssyncadd.tile.s32 @!p0 $0x1;
	_ =	shalt  }
.Lfunc_end1:
_tile_overlayer_lowered:
.L_overlay_start_2:
0x46: {  	(tag) =	ssettag $0x2  }
0x47: {  	s0 =	rddreg [dreg:$0x0];
	s2 =	stileid.u32  }
0x48: {  	s1 =	rddreg [dreg:$0x1];
	p0 =	sne.s32 s2, $0x0  }
0x49: {  	s3 =	rddreg [dreg:$0x2];
	[bflag:$0x3] =	sbarrier.arrive $0xFFFF;
	s2 =	simm.s32 @!p0 $0x1C01  }
0x4a: {  	[timem:s3], [sflag:s2] =	dma.local @!p0 [hbm:s0], s1  }
0x4b: {  	s0 =	simm.s32 @!p0 $0x1  }
0x4c: {  	_ =	swait.ge @!p0 [sflag:s0], s1  }
0x4d: {  	s1 =	ssub.s32 @!p0 $0x0, s1;
	[sflag:s0] =	ssyncset.done @!p0 $0x0  }
0x4e: {  	[sflag:s0] =	ssyncadd.s32 @!p0 s1  }
0x4f: {  	[bflag:$0x3] =	sbarrier.arrive $0xFFFF  }
0x50: {  	_ =	shalt  }

</sc_bundles>
